<compile_context>
chip_gen: v7x
topology: tpu7x:2x2x1
jax: 0.10.2.dev20260603
libtpu: 0.0.44.dev20260713+nightly
codegen_flags: <defaults>
</compile_context>

<pallas_src>
import functools

import jax
import jax.numpy as jnp
from jax import lax
from jax.experimental import pallas as pl
from jax.experimental.pallas import tpu as pltpu
from jax.experimental.pallas import tpu_sc as plsc

DIM = 64
NC = 2
NS = 16
NW = NC * NS
CHUNK = 128
NBUF = 2


@functools.cache
def _tc_pack_table(V: int):
    TB = 4096

    def body(in_ref, out_ref):
        out_ref[:, 0:DIM] = in_ref[...].T

    return pl.pallas_call(
        body,
        grid=((V + TB - 1) // TB,),
        in_specs=[pl.BlockSpec((DIM, TB), lambda i: (0, i))],
        out_specs=pl.BlockSpec((TB, 2 * DIM), lambda i: (i, 0)),
        out_shape=jax.ShapeDtypeStruct((V, 2 * DIM), jnp.float32),
    )


@functools.cache
def _tc_out_transpose(n: int, SD: int):
    NB = 128
    Q = SD // 128

    def body(in_ref, out_ref):
        x = in_ref[...].reshape(NB, Q, 128)
        for q in range(Q):
            out_ref[q] = x[:, q, :].T

    return pl.pallas_call(
        body,
        grid=(n // NB,),
        in_specs=[pl.BlockSpec((NB * Q, 128), lambda i: (i, 0))],
        out_specs=pl.BlockSpec((Q, 128, NB), lambda i: (0, 0, i)),
        out_shape=jax.ShapeDtypeStruct((Q, 128, n), jnp.float32),
    )


@functools.cache
def _sc_gather(B: int, V: int):
    bpw = B // NW
    nch = bpw // CHUNK
    ngrp = nch // (2 * NBUF)
    assert nch % (2 * NBUF) == 0
    mesh = plsc.VectorSubcoreMesh(core_axis_name="c", subcore_axis_name="s")

    @functools.partial(
        pl.kernel,
        mesh=mesh,
        out_type=jax.ShapeDtypeStruct((B, DIM), jnp.float32),
        scratch_types=[
            pltpu.VMEM((nch, CHUNK), jnp.int32),
            pltpu.VMEM((2 * NBUF, CHUNK, 2 * DIM), jnp.float32),
            pltpu.SemaphoreType.DMA,
            pltpu.SemaphoreType.DMA,
            pltpu.SemaphoreType.DMA,
            pltpu.SemaphoreType.DMA,
        ],
        compiler_params=pltpu.CompilerParams(use_tc_tiling_on_sc=False),
    )
    def emb(tok_hbm, table_hbm, out_hbm, idx_v, rows_v, g0, g1, w0, w1):
        wid = lax.axis_index("s") * NC + lax.axis_index("c")
        base_row = wid * bpw
        pltpu.sync_copy(tok_hbm.at[wid], idx_v)

        def fire_gather(chunk, buf, sem):
            pltpu.async_copy(table_hbm.at[idx_v.at[chunk]], rows_v.at[buf], sem)

        def fire_write(chunk, buf, sem):
            pltpu.async_copy(
                rows_v.at[buf, :, pl.ds(0, DIM)],
                out_hbm.at[pl.ds(base_row + chunk * CHUNK, CHUNK)],
                sem,
            )

        def drain_g(sem):
            pltpu.make_async_copy(
                table_hbm.at[pl.ds(0, CHUNK)], rows_v.at[0], sem
            ).wait()

        def drain_w(sem):
            pltpu.make_async_copy(
                rows_v.at[0, :, pl.ds(0, DIM)],
                out_hbm.at[pl.ds(base_row, CHUNK)],
                sem,
            ).wait()

        for b in range(NBUF):
            fire_gather(b, b, g0)

        def body(h, carry):
            base = h * (2 * NBUF)

            @pl.when(h > 0)
            def _():
                for b in range(NBUF):
                    drain_w(w1)

            for b in range(NBUF):
                fire_gather(base + NBUF + b, NBUF + b, g1)

            for b in range(NBUF):
                drain_g(g0)
            for b in range(NBUF):
                fire_write(base + b, b, w0)

            for b in range(NBUF):
                drain_w(w0)

            @pl.when(h + 1 < ngrp)
            def _():
                for b in range(NBUF):
                    fire_gather(base + 2 * NBUF + b, b, g0)

            for b in range(NBUF):
                drain_g(g1)
            for b in range(NBUF):
                fire_write(base + NBUF + b, NBUF + b, w1)
            return carry

        lax.fori_loop(0, ngrp, body, 0)
        for b in range(NBUF):
            drain_w(w1)

    return emb


def kernel(tokens, embedding):
    n, s = tokens.shape
    V = embedding.shape[0]
    B = n * s
    tok = tokens.reshape(NW, B // NW // CHUNK, CHUNK).astype(jnp.int32)
    table128 = _tc_pack_table(V)(jnp.swapaxes(embedding, 0, 1))
    flat = _sc_gather(B, V)(tok, table128)
    out3 = _tc_out_transpose(n, s * DIM)(flat.reshape(B // 2, 2 * DIM))
    return out3.reshape(s, DIM, n).transpose(2, 0, 1)

# --- scband reference (transcript-rebuilt; emitter-appended) ---
"""Pipeline reference for scband-token-embedding-59416577573371 (READ-ONLY COPY).

The authoritative reference and input builder live on the scoring server;
editing this copy changes nothing except your own understanding.
"""

import jax, jax.numpy as jnp
import numpy as np

VOCAB = 1000000
DIM = 64

def setup_inputs(seed: int = 0) -> dict:
    key = jax.random.key(seed)
    k_tok, k_emb = jax.random.split(key)
    tokens = jax.random.randint(k_tok, (16384, 50), 0, VOCAB, dtype=jnp.int64 if jax.config.jax_enable_x64 else jnp.int32)
    embedding = jax.random.normal(k_emb, (VOCAB, DIM), dtype=jnp.float32)
    return {"tokens": tokens, "embedding": embedding}

def reference(tokens, embedding):
    # nn.Embedding forward: gather rows of the table by token id
    return jnp.take(embedding, tokens, axis=0)

if __name__ == "__main__":
    import jax
    _d = setup_inputs()
    print(jax.jit(kernel)(*tuple(_d.values())))

</pallas_src>

<mosaic_0001>
#map = affine_map<(d0, d1) -> (0, 0, 0)>
#map1 = affine_map<(d0, d1) -> (0, 0)>
module attributes {stable_mosaic.version = 14 : i64} {
  func.func @emb(%arg0: i32, %arg1: i32, %arg2: memref<32x200x128xi32, #tpu.memory_space<hbm>>, %arg3: memref<1000000x128xf32, #tpu.memory_space<hbm>>, %arg4: memref<819200x64xf32, #tpu.memory_space<hbm>>, %arg5: memref<200x128xi32, #tpu.memory_space<vmem>>, %arg6: memref<4x128x128xf32, #tpu.memory_space<vmem>>, %arg7: memref<!tpu.dma_semaphore, #tpu.memory_space<semaphore_mem>>, %arg8: memref<!tpu.dma_semaphore, #tpu.memory_space<semaphore_mem>>, %arg9: memref<!tpu.dma_semaphore, #tpu.memory_space<semaphore_mem>>, %arg10: memref<!tpu.dma_semaphore, #tpu.memory_space<semaphore_mem>>) attributes {dimension_semantics = [#tpu.dimension_semantics<core_parallel>, #tpu.dimension_semantics<subcore_parallel>], iteration_bounds = array<i64: 2, 16>, scalar_prefetch = 0 : i64, scratch_operands = 6 : i64, tpu.core_type = #tpu.core_type<sc_vector_subcore>, window_params = [{transform_indices = #map}, {transform_indices = #map1}, {transform_indices = #map1}]} {
    %mul3A = arith.constant 2 : i32
    %mul3A_0 = arith.muli %arg1, %mul3A : i32
    %add3A = arith.addi %mul3A_0, %arg0 : i32
    %mul3A_1 = arith.constant 25600 : i32
    %mul3A_2 = arith.muli %add3A, %mul3A_1 : i32
    "tpu.region"() ({
      %run_scoped3A = tpu.sem_alloc : memref<!tpu.dma_semaphore, #tpu.memory_space<semaphore_mem>>
      %dma_start3A_56 = arith.constant 0 : i32
      %dma_start3A_57 = arith.constant 0 : i32
      %dma_start3A_58 = tpu.memref_slice %arg2[%add3A, %dma_start3A_56, %dma_start3A_57] : memref<32x200x128xi32, #tpu.memory_space<hbm>> -> memref<1x200x128xi32, #tpu.memory_space<hbm>>
      %dma_start3A_59 = tpu.memref_squeeze %dma_start3A_58 : memref<1x200x128xi32, #tpu.memory_space<hbm>> -> memref<200x128xi32, #tpu.memory_space<hbm>>
      %dma_start3A_60 = arith.constant 0 : i32
      %dma_start3A_61 = arith.constant 0 : i32
      %dma_start3A_62 = tpu.memref_slice %arg2[%add3A, %dma_start3A_60, %dma_start3A_61] : memref<32x200x128xi32, #tpu.memory_space<hbm>> -> memref<1x200x128xi32, #tpu.memory_space<hbm>>
      %dma_start3A_63 = tpu.memref_squeeze %dma_start3A_62 : memref<1x200x128xi32, #tpu.memory_space<hbm>> -> memref<200x128xi32, #tpu.memory_space<hbm>>
      tpu.enqueue_dma source(%dma_start3A_63 : memref<200x128xi32, #tpu.memory_space<hbm>>) target(%arg5 : memref<200x128xi32, #tpu.memory_space<vmem>>) target_semaphore(%run_scoped3A : memref<!tpu.dma_semaphore, #tpu.memory_space<semaphore_mem>>)
      %dma_wait3A_64 = arith.constant 0 : i32
      %dma_wait3A_65 = arith.constant 0 : i32
      %dma_wait3A_66 = tpu.memref_slice %arg2[%add3A, %dma_wait3A_64, %dma_wait3A_65] : memref<32x200x128xi32, #tpu.memory_space<hbm>> -> memref<1x200x128xi32, #tpu.memory_space<hbm>>
      %dma_wait3A_67 = tpu.memref_squeeze %dma_wait3A_66 : memref<1x200x128xi32, #tpu.memory_space<hbm>> -> memref<200x128xi32, #tpu.memory_space<hbm>>
      %dma_wait3A_68 = arith.constant 0 : i32
      %dma_wait3A_69 = arith.constant 0 : i32
      %dma_wait3A_70 = tpu.memref_slice %arg2[%add3A, %dma_wait3A_68, %dma_wait3A_69] : memref<32x200x128xi32, #tpu.memory_space<hbm>> -> memref<1x200x128xi32, #tpu.memory_space<hbm>>
      %dma_wait3A_71 = tpu.memref_squeeze %dma_wait3A_70 : memref<1x200x128xi32, #tpu.memory_space<hbm>> -> memref<200x128xi32, #tpu.memory_space<hbm>>
      tpu.wait_dma2 semaphore(%run_scoped3A : memref<!tpu.dma_semaphore, #tpu.memory_space<semaphore_mem>>) src(%dma_wait3A_71 : memref<200x128xi32, #tpu.memory_space<hbm>>) dst(%arg5 : memref<200x128xi32, #tpu.memory_space<vmem>>)
      tpu.yield
    }) : () -> ()
    %dma_start3A = arith.constant 0 : i32
    %dma_start3A_3 = arith.constant 0 : i32
    %dma_start3A_4 = arith.constant 0 : i32
    %dma_start3A_5 = arith.constant 0 : i32
    %dma_start3A_6 = tpu.memref_slice %arg6[%dma_start3A_3, %dma_start3A_4, %dma_start3A_5] : memref<4x128x128xf32, #tpu.memory_space<vmem>> -> memref<1x128x128xf32, #tpu.memory_space<vmem>>
    %dma_start3A_7 = tpu.memref_squeeze %dma_start3A_6 : memref<1x128x128xf32, #tpu.memory_space<vmem>> -> memref<128x128xf32, #tpu.memory_space<vmem>>
    %dma_start3A_8 = arith.constant 0 : i32
    %dma_start3A_9 = tpu.memref_slice %arg5[%dma_start3A, %dma_start3A_8] : memref<200x128xi32, #tpu.memory_space<vmem>> -> memref<1x128xi32, #tpu.memory_space<vmem>>
    %dma_start3A_10 = tpu.memref_squeeze %dma_start3A_9 : memref<1x128xi32, #tpu.memory_space<vmem>> -> memref<128xi32, #tpu.memory_space<vmem>>
    %dma_start3A_11 = arith.constant 0 : i32
    %dma_start3A_12 = arith.constant 0 : i32
    %dma_start3A_13 = tpu.memref_slice %arg3[%dma_start3A_11, %dma_start3A_12] : memref<1000000x128xf32, #tpu.memory_space<hbm>> -> memref<1000000x128xf32, #tpu.memory_space<hbm>>
    tpu.enqueue_indirect_dma source(%dma_start3A_13 : memref<1000000x128xf32, #tpu.memory_space<hbm>>) target(%dma_start3A_7 : memref<128x128xf32, #tpu.memory_space<vmem>>) offsets(%dma_start3A_10 : memref<128xi32, #tpu.memory_space<vmem>>) semaphore(%arg7 : memref<!tpu.dma_semaphore, #tpu.memory_space<semaphore_mem>>)
    %dma_start3A_14 = arith.constant 1 : i32
    %dma_start3A_15 = arith.constant 1 : i32
    %dma_start3A_16 = arith.constant 0 : i32
    %dma_start3A_17 = arith.constant 0 : i32
    %dma_start3A_18 = tpu.memref_slice %arg6[%dma_start3A_15, %dma_start3A_16, %dma_start3A_17] : memref<4x128x128xf32, #tpu.memory_space<vmem>> -> memref<1x128x128xf32, #tpu.memory_space<vmem>>
    %dma_start3A_19 = tpu.memref_squeeze %dma_start3A_18 : memref<1x128x128xf32, #tpu.memory_space<vmem>> -> memref<128x128xf32, #tpu.memory_space<vmem>>
    %dma_start3A_20 = arith.constant 0 : i32
    %dma_start3A_21 = tpu.memref_slice %arg5[%dma_start3A_14, %dma_start3A_20] : memref<200x128xi32, #tpu.memory_space<vmem>> -> memref<1x128xi32, #tpu.memory_space<vmem>>
    %dma_start3A_22 = tpu.memref_squeeze %dma_start3A_21 : memref<1x128xi32, #tpu.memory_space<vmem>> -> memref<128xi32, #tpu.memory_space<vmem>>
    %dma_start3A_23 = arith.constant 0 : i32
    %dma_start3A_24 = arith.constant 0 : i32
    %dma_start3A_25 = tpu.memref_slice %arg3[%dma_start3A_23, %dma_start3A_24] : memref<1000000x128xf32, #tpu.memory_space<hbm>> -> memref<1000000x128xf32, #tpu.memory_space<hbm>>
    tpu.enqueue_indirect_dma source(%dma_start3A_25 : memref<1000000x128xf32, #tpu.memory_space<hbm>>) target(%dma_start3A_19 : memref<128x128xf32, #tpu.memory_space<vmem>>) offsets(%dma_start3A_22 : memref<128xi32, #tpu.memory_space<vmem>>) semaphore(%arg7 : memref<!tpu.dma_semaphore, #tpu.memory_space<semaphore_mem>>)
    %scan3A = arith.constant 0 : i32
    %scan3A_26 = arith.constant 0 : i32
    %scan3A_27 = arith.constant 50 : i32
    %scan3A_28 = arith.addi %scan3A_26, %scan3A_27 : i32
    %scan3A_29 = arith.constant 1 : i32
    scf.for %scan3A_56 = %scan3A_26 to %scan3A_28 step %scan3A_29  : i32 {
      %mul3A_57 = arith.constant 4 : i32
      %mul3A_58 = arith.muli %scan3A_56, %mul3A_57 : i32
      %gt3A = arith.constant 0 : i32
      %gt3A_59 = arith.cmpi sgt, %scan3A_56, %gt3A : i32
      %convert_element_type3A = arith.extui %gt3A_59 : i1 to i32
      %cond3A = arith.constant 0 : i32
      %cond3A_60 = arith.cmpi ne, %convert_element_type3A, %cond3A : i32
      scf.if %cond3A_60 {
        %dma_wait3A_259 = arith.constant 0 : i32
        %dma_wait3A_260 = arith.constant 0 : i32
        %dma_wait3A_261 = arith.constant 0 : i32
        %dma_wait3A_262 = tpu.memref_slice %arg6[%dma_wait3A_259, %dma_wait3A_260, %dma_wait3A_261] : memref<4x128x128xf32, #tpu.memory_space<vmem>> -> memref<1x128x64xf32, #tpu.memory_space<vmem>>
        %dma_wait3A_263 = tpu.memref_squeeze %dma_wait3A_262 : memref<1x128x64xf32, #tpu.memory_space<vmem>> -> memref<128x64xf32, #tpu.memory_space<vmem>>
        %dma_wait3A_264 = arith.constant 0 : i32
        %dma_wait3A_265 = tpu.memref_slice %arg4[%mul3A_2, %dma_wait3A_264] : memref<819200x64xf32, #tpu.memory_space<hbm>> -> memref<128x64xf32, #tpu.memory_space<hbm>>
        %dma_wait3A_266 = arith.constant 0 : i32
        %dma_wait3A_267 = tpu.memref_slice %arg4[%mul3A_2, %dma_wait3A_266] : memref<819200x64xf32, #tpu.memory_space<hbm>> -> memref<128x64xf32, #tpu.memory_space<hbm>>
        %dma_wait3A_268 = arith.constant 0 : i32
        %dma_wait3A_269 = arith.constant 0 : i32
        %dma_wait3A_270 = tpu.memref_slice %arg6[%dma_wait3A_259, %dma_wait3A_268, %dma_wait3A_269] : memref<4x128x128xf32, #tpu.memory_space<vmem>> -> memref<1x128x64xf32, #tpu.memory_space<vmem>>
        %dma_wait3A_271 = tpu.memref_squeeze %dma_wait3A_270 : memref<1x128x64xf32, #tpu.memory_space<vmem>> -> memref<128x64xf32, #tpu.memory_space<vmem>>
        tpu.wait_dma2 semaphore(%arg10 : memref<!tpu.dma_semaphore, #tpu.memory_space<semaphore_mem>>) src(%dma_wait3A_271 : memref<128x64xf32, #tpu.memory_space<vmem>>) dst(%dma_wait3A_267 : memref<128x64xf32, #tpu.memory_space<hbm>>)
        %dma_wait3A_272 = arith.constant 0 : i32
        %dma_wait3A_273 = arith.constant 0 : i32
        %dma_wait3A_274 = arith.constant 0 : i32
        %dma_wait3A_275 = tpu.memref_slice %arg6[%dma_wait3A_272, %dma_wait3A_273, %dma_wait3A_274] : memref<4x128x128xf32, #tpu.memory_space<vmem>> -> memref<1x128x64xf32, #tpu.memory_space<vmem>>
        %dma_wait3A_276 = tpu.memref_squeeze %dma_wait3A_275 : memref<1x128x64xf32, #tpu.memory_space<vmem>> -> memref<128x64xf32, #tpu.memory_space<vmem>>
        %dma_wait3A_277 = arith.constant 0 : i32
        %dma_wait3A_278 = tpu.memref_slice %arg4[%mul3A_2, %dma_wait3A_277] : memref<819200x64xf32, #tpu.memory_space<hbm>> -> memref<128x64xf32, #tpu.memory_space<hbm>>
        %dma_wait3A_279 = arith.constant 0 : i32
        %dma_wait3A_280 = tpu.memref_slice %arg4[%mul3A_2, %dma_wait3A_279] : memref<819200x64xf32, #tpu.memory_space<hbm>> -> memref<128x64xf32, #tpu.memory_space<hbm>>
        %dma_wait3A_281 = arith.constant 0 : i32
        %dma_wait3A_282 = arith.constant 0 : i32
        %dma_wait3A_283 = tpu.memref_slice %arg6[%dma_wait3A_272, %dma_wait3A_281, %dma_wait3A_282] : memref<4x128x128xf32, #tpu.memory_space<vmem>> -> memref<1x128x64xf32, #tpu.memory_space<vmem>>
        %dma_wait3A_284 = tpu.memref_squeeze %dma_wait3A_283 : memref<1x128x64xf32, #tpu.memory_space<vmem>> -> memref<128x64xf32, #tpu.memory_space<vmem>>
        tpu.wait_dma2 semaphore(%arg10 : memref<!tpu.dma_semaphore, #tpu.memory_space<semaphore_mem>>) src(%dma_wait3A_284 : memref<128x64xf32, #tpu.memory_space<vmem>>) dst(%dma_wait3A_280 : memref<128x64xf32, #tpu.memory_space<hbm>>)
      } else {
      }
      %add3A_61 = arith.constant 2 : i32
      %add3A_62 = arith.addi %mul3A_58, %add3A_61 : i32
      %add3A_63 = arith.constant 0 : i32
      %add3A_64 = arith.addi %add3A_62, %add3A_63 : i32
      %dma_start3A_65 = arith.constant 2 : i32
      %dma_start3A_66 = arith.constant 0 : i32
      %dma_start3A_67 = arith.constant 0 : i32
      %dma_start3A_68 = tpu.memref_slice %arg6[%dma_start3A_65, %dma_start3A_66, %dma_start3A_67] : memref<4x128x128xf32, #tpu.memory_space<vmem>> -> memref<1x128x128xf32, #tpu.memory_space<vmem>>
      %dma_start3A_69 = tpu.memref_squeeze %dma_start3A_68 : memref<1x128x128xf32, #tpu.memory_space<vmem>> -> memref<128x128xf32, #tpu.memory_space<vmem>>
      %dma_start3A_70 = arith.constant 0 : i32
      %dma_start3A_71 = tpu.memref_slice %arg5[%add3A_64, %dma_start3A_70] : memref<200x128xi32, #tpu.memory_space<vmem>> -> memref<1x128xi32, #tpu.memory_space<vmem>>
      %dma_start3A_72 = tpu.memref_squeeze %dma_start3A_71 : memref<1x128xi32, #tpu.memory_space<vmem>> -> memref<128xi32, #tpu.memory_space<vmem>>
      %dma_start3A_73 = arith.constant 0 : i32
      %dma_start3A_74 = arith.constant 0 : i32
      %dma_start3A_75 = tpu.memref_slice %arg3[%dma_start3A_73, %dma_start3A_74] : memref<1000000x128xf32, #tpu.memory_space<hbm>> -> memref<1000000x128xf32, #tpu.memory_space<hbm>>
      tpu.enqueue_indirect_dma source(%dma_start3A_75 : memref<1000000x128xf32, #tpu.memory_space<hbm>>) target(%dma_start3A_69 : memref<128x128xf32, #tpu.memory_space<vmem>>) offsets(%dma_start3A_72 : memref<128xi32, #tpu.memory_space<vmem>>) semaphore(%arg8 : memref<!tpu.dma_semaphore, #tpu.memory_space<semaphore_mem>>)
      %add3A_76 = arith.constant 2 : i32
      %add3A_77 = arith.addi %mul3A_58, %add3A_76 : i32
      %add3A_78 = arith.constant 1 : i32
      %add3A_79 = arith.addi %add3A_77, %add3A_78 : i32
      %dma_start3A_80 = arith.constant 3 : i32
      %dma_start3A_81 = arith.constant 0 : i32
      %dma_start3A_82 = arith.constant 0 : i32
      %dma_start3A_83 = tpu.memref_slice %arg6[%dma_start3A_80, %dma_start3A_81, %dma_start3A_82] : memref<4x128x128xf32, #tpu.memory_space<vmem>> -> memref<1x128x128xf32, #tpu.memory_space<vmem>>
      %dma_start3A_84 = tpu.memref_squeeze %dma_start3A_83 : memref<1x128x128xf32, #tpu.memory_space<vmem>> -> memref<128x128xf32, #tpu.memory_space<vmem>>
      %dma_start3A_85 = arith.constant 0 : i32
      %dma_start3A_86 = tpu.memref_slice %arg5[%add3A_79, %dma_start3A_85] : memref<200x128xi32, #tpu.memory_space<vmem>> -> memref<1x128xi32, #tpu.memory_space<vmem>>
      %dma_start3A_87 = tpu.memref_squeeze %dma_start3A_86 : memref<1x128xi32, #tpu.memory_space<vmem>> -> memref<128xi32, #tpu.memory_space<vmem>>
      %dma_start3A_88 = arith.constant 0 : i32
      %dma_start3A_89 = arith.constant 0 : i32
      %dma_start3A_90 = tpu.memref_slice %arg3[%dma_start3A_88, %dma_start3A_89] : memref<1000000x128xf32, #tpu.memory_space<hbm>> -> memref<1000000x128xf32, #tpu.memory_space<hbm>>
      tpu.enqueue_indirect_dma source(%dma_start3A_90 : memref<1000000x128xf32, #tpu.memory_space<hbm>>) target(%dma_start3A_84 : memref<128x128xf32, #tpu.memory_space<vmem>>) offsets(%dma_start3A_87 : memref<128xi32, #tpu.memory_space<vmem>>) semaphore(%arg8 : memref<!tpu.dma_semaphore, #tpu.memory_space<semaphore_mem>>)
      %dma_wait3A_91 = arith.constant 0 : i32
      %dma_wait3A_92 = arith.constant 0 : i32
      %dma_wait3A_93 = arith.constant 0 : i32
      %dma_wait3A_94 = tpu.memref_slice %arg6[%dma_wait3A_91, %dma_wait3A_92, %dma_wait3A_93] : memref<4x128x128xf32, #tpu.memory_space<vmem>> -> memref<1x128x128xf32, #tpu.memory_space<vmem>>
      %dma_wait3A_95 = tpu.memref_squeeze %dma_wait3A_94 : memref<1x128x128xf32, #tpu.memory_space<vmem>> -> memref<128x128xf32, #tpu.memory_space<vmem>>
      %dma_wait3A_96 = arith.constant 0 : i32
      %dma_wait3A_97 = arith.constant 0 : i32
      %dma_wait3A_98 = tpu.memref_slice %arg3[%dma_wait3A_96, %dma_wait3A_97] : memref<1000000x128xf32, #tpu.memory_space<hbm>> -> memref<128x128xf32, #tpu.memory_space<hbm>>
      %dma_wait3A_99 = arith.constant 0 : i32
      %dma_wait3A_100 = arith.constant 0 : i32
      %dma_wait3A_101 = tpu.memref_slice %arg6[%dma_wait3A_91, %dma_wait3A_99, %dma_wait3A_100] : memref<4x128x128xf32, #tpu.memory_space<vmem>> -> memref<1x128x128xf32, #tpu.memory_space<vmem>>
      %dma_wait3A_102 = tpu.memref_squeeze %dma_wait3A_101 : memref<1x128x128xf32, #tpu.memory_space<vmem>> -> memref<128x128xf32, #tpu.memory_space<vmem>>
      %dma_wait3A_103 = arith.constant 0 : i32
      %dma_wait3A_104 = arith.constant 0 : i32
      %dma_wait3A_105 = tpu.memref_slice %arg3[%dma_wait3A_103, %dma_wait3A_104] : memref<1000000x128xf32, #tpu.memory_space<hbm>> -> memref<128x128xf32, #tpu.memory_space<hbm>>
      tpu.wait_dma2 semaphore(%arg7 : memref<!tpu.dma_semaphore, #tpu.memory_space<semaphore_mem>>) src(%dma_wait3A_105 : memref<128x128xf32, #tpu.memory_space<hbm>>) dst(%dma_wait3A_102 : memref<128x128xf32, #tpu.memory_space<vmem>>)
      %dma_wait3A_106 = arith.constant 0 : i32
      %dma_wait3A_107 = arith.constant 0 : i32
      %dma_wait3A_108 = arith.constant 0 : i32
      %dma_wait3A_109 = tpu.memref_slice %arg6[%dma_wait3A_106, %dma_wait3A_107, %dma_wait3A_108] : memref<4x128x128xf32, #tpu.memory_space<vmem>> -> memref<1x128x128xf32, #tpu.memory_space<vmem>>
      %dma_wait3A_110 = tpu.memref_squeeze %dma_wait3A_109 : memref<1x128x128xf32, #tpu.memory_space<vmem>> -> memref<128x128xf32, #tpu.memory_space<vmem>>
      %dma_wait3A_111 = arith.constant 0 : i32
      %dma_wait3A_112 = arith.constant 0 : i32
      %dma_wait3A_113 = tpu.memref_slice %arg3[%dma_wait3A_111, %dma_wait3A_112] : memref<1000000x128xf32, #tpu.memory_space<hbm>> -> memref<128x128xf32, #tpu.memory_space<hbm>>
      %dma_wait3A_114 = arith.constant 0 : i32
      %dma_wait3A_115 = arith.constant 0 : i32
      %dma_wait3A_116 = tpu.memref_slice %arg6[%dma_wait3A_106, %dma_wait3A_114, %dma_wait3A_115] : memref<4x128x128xf32, #tpu.memory_space<vmem>> -> memref<1x128x128xf32, #tpu.memory_space<vmem>>
      %dma_wait3A_117 = tpu.memref_squeeze %dma_wait3A_116 : memref<1x128x128xf32, #tpu.memory_space<vmem>> -> memref<128x128xf32, #tpu.memory_space<vmem>>
      %dma_wait3A_118 = arith.constant 0 : i32
      %dma_wait3A_119 = arith.constant 0 : i32
      %dma_wait3A_120 = tpu.memref_slice %arg3[%dma_wait3A_118, %dma_wait3A_119] : memref<1000000x128xf32, #tpu.memory_space<hbm>> -> memref<128x128xf32, #tpu.memory_space<hbm>>
      tpu.wait_dma2 semaphore(%arg7 : memref<!tpu.dma_semaphore, #tpu.memory_space<semaphore_mem>>) src(%dma_wait3A_120 : memref<128x128xf32, #tpu.memory_space<hbm>>) dst(%dma_wait3A_117 : memref<128x128xf32, #tpu.memory_space<vmem>>)
      %add3A_121 = arith.constant 0 : i32
      %add3A_122 = arith.addi %mul3A_58, %add3A_121 : i32
      %mul3A_123 = arith.constant 128 : i32
      %mul3A_124 = arith.muli %add3A_122, %mul3A_123 : i32
      %add3A_125 = arith.addi %mul3A_2, %mul3A_124 : i32
      %dma_start3A_126 = arith.constant 0 : i32
      %dma_start3A_127 = arith.constant 0 : i32
      %dma_start3A_128 = arith.constant 0 : i32
      %dma_start3A_129 = tpu.memref_slice %arg6[%dma_start3A_126, %dma_start3A_127, %dma_start3A_128] : memref<4x128x128xf32, #tpu.memory_space<vmem>> -> memref<1x128x64xf32, #tpu.memory_space<vmem>>
      %dma_start3A_130 = tpu.memref_squeeze %dma_start3A_129 : memref<1x128x64xf32, #tpu.memory_space<vmem>> -> memref<128x64xf32, #tpu.memory_space<vmem>>
      %dma_start3A_131 = arith.constant 0 : i32
      %dma_start3A_132 = tpu.memref_slice %arg4[%add3A_125, %dma_start3A_131] : memref<819200x64xf32, #tpu.memory_space<hbm>> -> memref<128x64xf32, #tpu.memory_space<hbm>>
      %dma_start3A_133 = arith.constant 0 : i32
      %dma_start3A_134 = tpu.memref_slice %arg4[%add3A_125, %dma_start3A_133] : memref<819200x64xf32, #tpu.memory_space<hbm>> -> memref<128x64xf32, #tpu.memory_space<hbm>>
      %dma_start3A_135 = arith.constant 0 : i32
      %dma_start3A_136 = arith.constant 0 : i32
      %dma_start3A_137 = tpu.memref_slice %arg6[%dma_start3A_126, %dma_start3A_135, %dma_start3A_136] : memref<4x128x128xf32, #tpu.memory_space<vmem>> -> memref<1x128x64xf32, #tpu.memory_space<vmem>>
      %dma_start3A_138 = tpu.memref_squeeze %dma_start3A_137 : memref<1x128x64xf32, #tpu.memory_space<vmem>> -> memref<128x64xf32, #tpu.memory_space<vmem>>
      tpu.enqueue_dma source(%dma_start3A_138 : memref<128x64xf32, #tpu.memory_space<vmem>>) target(%dma_start3A_134 : memref<128x64xf32, #tpu.memory_space<hbm>>) target_semaphore(%arg9 : memref<!tpu.dma_semaphore, #tpu.memory_space<semaphore_mem>>)
      %add3A_139 = arith.constant 1 : i32
      %add3A_140 = arith.addi %mul3A_58, %add3A_139 : i32
      %mul3A_141 = arith.constant 128 : i32
      %mul3A_142 = arith.muli %add3A_140, %mul3A_141 : i32
      %add3A_143 = arith.addi %mul3A_2, %mul3A_142 : i32
      %dma_start3A_144 = arith.constant 1 : i32
      %dma_start3A_145 = arith.constant 0 : i32
      %dma_start3A_146 = arith.constant 0 : i32
      %dma_start3A_147 = tpu.memref_slice %arg6[%dma_start3A_144, %dma_start3A_145, %dma_start3A_146] : memref<4x128x128xf32, #tpu.memory_space<vmem>> -> memref<1x128x64xf32, #tpu.memory_space<vmem>>
      %dma_start3A_148 = tpu.memref_squeeze %dma_start3A_147 : memref<1x128x64xf32, #tpu.memory_space<vmem>> -> memref<128x64xf32, #tpu.memory_space<vmem>>
      %dma_start3A_149 = arith.constant 0 : i32
      %dma_start3A_150 = tpu.memref_slice %arg4[%add3A_143, %dma_start3A_149] : memref<819200x64xf32, #tpu.memory_space<hbm>> -> memref<128x64xf32, #tpu.memory_space<hbm>>
      %dma_start3A_151 = arith.constant 0 : i32
      %dma_start3A_152 = tpu.memref_slice %arg4[%add3A_143, %dma_start3A_151] : memref<819200x64xf32, #tpu.memory_space<hbm>> -> memref<128x64xf32, #tpu.memory_space<hbm>>
      %dma_start3A_153 = arith.constant 0 : i32
      %dma_start3A_154 = arith.constant 0 : i32
      %dma_start3A_155 = tpu.memref_slice %arg6[%dma_start3A_144, %dma_start3A_153, %dma_start3A_154] : memref<4x128x128xf32, #tpu.memory_space<vmem>> -> memref<1x128x64xf32, #tpu.memory_space<vmem>>
      %dma_start3A_156 = tpu.memref_squeeze %dma_start3A_155 : memref<1x128x64xf32, #tpu.memory_space<vmem>> -> memref<128x64xf32, #tpu.memory_space<vmem>>
      tpu.enqueue_dma source(%dma_start3A_156 : memref<128x64xf32, #tpu.memory_space<vmem>>) target(%dma_start3A_152 : memref<128x64xf32, #tpu.memory_space<hbm>>) target_semaphore(%arg9 : memref<!tpu.dma_semaphore, #tpu.memory_space<semaphore_mem>>)
      %dma_wait3A_157 = arith.constant 0 : i32
      %dma_wait3A_158 = arith.constant 0 : i32
      %dma_wait3A_159 = arith.constant 0 : i32
      %dma_wait3A_160 = tpu.memref_slice %arg6[%dma_wait3A_157, %dma_wait3A_158, %dma_wait3A_159] : memref<4x128x128xf32, #tpu.memory_space<vmem>> -> memref<1x128x64xf32, #tpu.memory_space<vmem>>
      %dma_wait3A_161 = tpu.memref_squeeze %dma_wait3A_160 : memref<1x128x64xf32, #tpu.memory_space<vmem>> -> memref<128x64xf32, #tpu.memory_space<vmem>>
      %dma_wait3A_162 = arith.constant 0 : i32
      %dma_wait3A_163 = tpu.memref_slice %arg4[%mul3A_2, %dma_wait3A_162] : memref<819200x64xf32, #tpu.memory_space<hbm>> -> memref<128x64xf32, #tpu.memory_space<hbm>>
      %dma_wait3A_164 = arith.constant 0 : i32
      %dma_wait3A_165 = tpu.memref_slice %arg4[%mul3A_2, %dma_wait3A_164] : memref<819200x64xf32, #tpu.memory_space<hbm>> -> memref<128x64xf32, #tpu.memory_space<hbm>>
      %dma_wait3A_166 = arith.constant 0 : i32
      %dma_wait3A_167 = arith.constant 0 : i32
      %dma_wait3A_168 = tpu.memref_slice %arg6[%dma_wait3A_157, %dma_wait3A_166, %dma_wait3A_167] : memref<4x128x128xf32, #tpu.memory_space<vmem>> -> memref<1x128x64xf32, #tpu.memory_space<vmem>>
      %dma_wait3A_169 = tpu.memref_squeeze %dma_wait3A_168 : memref<1x128x64xf32, #tpu.memory_space<vmem>> -> memref<128x64xf32, #tpu.memory_space<vmem>>
      tpu.wait_dma2 semaphore(%arg9 : memref<!tpu.dma_semaphore, #tpu.memory_space<semaphore_mem>>) src(%dma_wait3A_169 : memref<128x64xf32, #tpu.memory_space<vmem>>) dst(%dma_wait3A_165 : memref<128x64xf32, #tpu.memory_space<hbm>>)
      %dma_wait3A_170 = arith.constant 0 : i32
      %dma_wait3A_171 = arith.constant 0 : i32
      %dma_wait3A_172 = arith.constant 0 : i32
      %dma_wait3A_173 = tpu.memref_slice %arg6[%dma_wait3A_170, %dma_wait3A_171, %dma_wait3A_172] : memref<4x128x128xf32, #tpu.memory_space<vmem>> -> memref<1x128x64xf32, #tpu.memory_space<vmem>>
      %dma_wait3A_174 = tpu.memref_squeeze %dma_wait3A_173 : memref<1x128x64xf32, #tpu.memory_space<vmem>> -> memref<128x64xf32, #tpu.memory_space<vmem>>
      %dma_wait3A_175 = arith.constant 0 : i32
      %dma_wait3A_176 = tpu.memref_slice %arg4[%mul3A_2, %dma_wait3A_175] : memref<819200x64xf32, #tpu.memory_space<hbm>> -> memref<128x64xf32, #tpu.memory_space<hbm>>
      %dma_wait3A_177 = arith.constant 0 : i32
      %dma_wait3A_178 = tpu.memref_slice %arg4[%mul3A_2, %dma_wait3A_177] : memref<819200x64xf32, #tpu.memory_space<hbm>> -> memref<128x64xf32, #tpu.memory_space<hbm>>
      %dma_wait3A_179 = arith.constant 0 : i32
      %dma_wait3A_180 = arith.constant 0 : i32
      %dma_wait3A_181 = tpu.memref_slice %arg6[%dma_wait3A_170, %dma_wait3A_179, %dma_wait3A_180] : memref<4x128x128xf32, #tpu.memory_space<vmem>> -> memref<1x128x64xf32, #tpu.memory_space<vmem>>
      %dma_wait3A_182 = tpu.memref_squeeze %dma_wait3A_181 : memref<1x128x64xf32, #tpu.memory_space<vmem>> -> memref<128x64xf32, #tpu.memory_space<vmem>>
      tpu.wait_dma2 semaphore(%arg9 : memref<!tpu.dma_semaphore, #tpu.memory_space<semaphore_mem>>) src(%dma_wait3A_182 : memref<128x64xf32, #tpu.memory_space<vmem>>) dst(%dma_wait3A_178 : memref<128x64xf32, #tpu.memory_space<hbm>>)
      %add3A_183 = arith.constant 1 : i32
      %add3A_184 = arith.addi %scan3A_56, %add3A_183 : i32
      %lt3A = arith.constant 50 : i32
      %lt3A_185 = arith.cmpi slt, %add3A_184, %lt3A : i32
      %convert_element_type3A_186 = arith.extui %lt3A_185 : i1 to i32
      %cond3A_187 = arith.constant 0 : i32
      %cond3A_188 = arith.cmpi ne, %convert_element_type3A_186, %cond3A_187 : i32
      scf.if %cond3A_188 {
        %add3A_259 = arith.constant 4 : i32
        %add3A_260 = arith.addi %mul3A_58, %add3A_259 : i32
        %add3A_261 = arith.constant 0 : i32
        %add3A_262 = arith.addi %add3A_260, %add3A_261 : i32
        %dma_start3A_263 = arith.constant 0 : i32
        %dma_start3A_264 = arith.constant 0 : i32
        %dma_start3A_265 = arith.constant 0 : i32
        %dma_start3A_266 = tpu.memref_slice %arg6[%dma_start3A_263, %dma_start3A_264, %dma_start3A_265] : memref<4x128x128xf32, #tpu.memory_space<vmem>> -> memref<1x128x128xf32, #tpu.memory_space<vmem>>
        %dma_start3A_267 = tpu.memref_squeeze %dma_start3A_266 : memref<1x128x128xf32, #tpu.memory_space<vmem>> -> memref<128x128xf32, #tpu.memory_space<vmem>>
        %dma_start3A_268 = arith.constant 0 : i32
        %dma_start3A_269 = tpu.memref_slice %arg5[%add3A_262, %dma_start3A_268] : memref<200x128xi32, #tpu.memory_space<vmem>> -> memref<1x128xi32, #tpu.memory_space<vmem>>
        %dma_start3A_270 = tpu.memref_squeeze %dma_start3A_269 : memref<1x128xi32, #tpu.memory_space<vmem>> -> memref<128xi32, #tpu.memory_space<vmem>>
        %dma_start3A_271 = arith.constant 0 : i32
        %dma_start3A_272 = arith.constant 0 : i32
        %dma_start3A_273 = tpu.memref_slice %arg3[%dma_start3A_271, %dma_start3A_272] : memref<1000000x128xf32, #tpu.memory_space<hbm>> -> memref<1000000x128xf32, #tpu.memory_space<hbm>>
        tpu.enqueue_indirect_dma source(%dma_start3A_273 : memref<1000000x128xf32, #tpu.memory_space<hbm>>) target(%dma_start3A_267 : memref<128x128xf32, #tpu.memory_space<vmem>>) offsets(%dma_start3A_270 : memref<128xi32, #tpu.memory_space<vmem>>) semaphore(%arg7 : memref<!tpu.dma_semaphore, #tpu.memory_space<semaphore_mem>>)
        %add3A_274 = arith.constant 4 : i32
        %add3A_275 = arith.addi %mul3A_58, %add3A_274 : i32
        %add3A_276 = arith.constant 1 : i32
        %add3A_277 = arith.addi %add3A_275, %add3A_276 : i32
        %dma_start3A_278 = arith.constant 1 : i32
        %dma_start3A_279 = arith.constant 0 : i32
        %dma_start3A_280 = arith.constant 0 : i32
        %dma_start3A_281 = tpu.memref_slice %arg6[%dma_start3A_278, %dma_start3A_279, %dma_start3A_280] : memref<4x128x128xf32, #tpu.memory_space<vmem>> -> memref<1x128x128xf32, #tpu.memory_space<vmem>>
        %dma_start3A_282 = tpu.memref_squeeze %dma_start3A_281 : memref<1x128x128xf32, #tpu.memory_space<vmem>> -> memref<128x128xf32, #tpu.memory_space<vmem>>
        %dma_start3A_283 = arith.constant 0 : i32
        %dma_start3A_284 = tpu.memref_slice %arg5[%add3A_277, %dma_start3A_283] : memref<200x128xi32, #tpu.memory_space<vmem>> -> memref<1x128xi32, #tpu.memory_space<vmem>>
        %dma_start3A_285 = tpu.memref_squeeze %dma_start3A_284 : memref<1x128xi32, #tpu.memory_space<vmem>> -> memref<128xi32, #tpu.memory_space<vmem>>
        %dma_start3A_286 = arith.constant 0 : i32
        %dma_start3A_287 = arith.constant 0 : i32
        %dma_start3A_288 = tpu.memref_slice %arg3[%dma_start3A_286, %dma_start3A_287] : memref<1000000x128xf32, #tpu.memory_space<hbm>> -> memref<1000000x128xf32, #tpu.memory_space<hbm>>
        tpu.enqueue_indirect_dma source(%dma_start3A_288 : memref<1000000x128xf32, #tpu.memory_space<hbm>>) target(%dma_start3A_282 : memref<128x128xf32, #tpu.memory_space<vmem>>) offsets(%dma_start3A_285 : memref<128xi32, #tpu.memory_space<vmem>>) semaphore(%arg7 : memref<!tpu.dma_semaphore, #tpu.memory_space<semaphore_mem>>)
      } else {
      }
      %dma_wait3A_189 = arith.constant 0 : i32
      %dma_wait3A_190 = arith.constant 0 : i32
      %dma_wait3A_191 = arith.constant 0 : i32
      %dma_wait3A_192 = tpu.memref_slice %arg6[%dma_wait3A_189, %dma_wait3A_190, %dma_wait3A_191] : memref<4x128x128xf32, #tpu.memory_space<vmem>> -> memref<1x128x128xf32, #tpu.memory_space<vmem>>
      %dma_wait3A_193 = tpu.memref_squeeze %dma_wait3A_192 : memref<1x128x128xf32, #tpu.memory_space<vmem>> -> memref<128x128xf32, #tpu.memory_space<vmem>>
      %dma_wait3A_194 = arith.constant 0 : i32
      %dma_wait3A_195 = arith.constant 0 : i32
      %dma_wait3A_196 = tpu.memref_slice %arg3[%dma_wait3A_194, %dma_wait3A_195] : memref<1000000x128xf32, #tpu.memory_space<hbm>> -> memref<128x128xf32, #tpu.memory_space<hbm>>
      %dma_wait3A_197 = arith.constant 0 : i32
      %dma_wait3A_198 = arith.constant 0 : i32
      %dma_wait3A_199 = tpu.memref_slice %arg6[%dma_wait3A_189, %dma_wait3A_197, %dma_wait3A_198] : memref<4x128x128xf32, #tpu.memory_space<vmem>> -> memref<1x128x128xf32, #tpu.memory_space<vmem>>
      %dma_wait3A_200 = tpu.memref_squeeze %dma_wait3A_199 : memref<1x128x128xf32, #tpu.memory_space<vmem>> -> memref<128x128xf32, #tpu.memory_space<vmem>>
      %dma_wait3A_201 = arith.constant 0 : i32
      %dma_wait3A_202 = arith.constant 0 : i32
      %dma_wait3A_203 = tpu.memref_slice %arg3[%dma_wait3A_201, %dma_wait3A_202] : memref<1000000x128xf32, #tpu.memory_space<hbm>> -> memref<128x128xf32, #tpu.memory_space<hbm>>
      tpu.wait_dma2 semaphore(%arg8 : memref<!tpu.dma_semaphore, #tpu.memory_space<semaphore_mem>>) src(%dma_wait3A_203 : memref<128x128xf32, #tpu.memory_space<hbm>>) dst(%dma_wait3A_200 : memref<128x128xf32, #tpu.memory_space<vmem>>)
      %dma_wait3A_204 = arith.constant 0 : i32
      %dma_wait3A_205 = arith.constant 0 : i32
      %dma_wait3A_206 = arith.constant 0 : i32
      %dma_wait3A_207 = tpu.memref_slice %arg6[%dma_wait3A_204, %dma_wait3A_205, %dma_wait3A_206] : memref<4x128x128xf32, #tpu.memory_space<vmem>> -> memref<1x128x128xf32, #tpu.memory_space<vmem>>
      %dma_wait3A_208 = tpu.memref_squeeze %dma_wait3A_207 : memref<1x128x128xf32, #tpu.memory_space<vmem>> -> memref<128x128xf32, #tpu.memory_space<vmem>>
      %dma_wait3A_209 = arith.constant 0 : i32
      %dma_wait3A_210 = arith.constant 0 : i32
      %dma_wait3A_211 = tpu.memref_slice %arg3[%dma_wait3A_209, %dma_wait3A_210] : memref<1000000x128xf32, #tpu.memory_space<hbm>> -> memref<128x128xf32, #tpu.memory_space<hbm>>
      %dma_wait3A_212 = arith.constant 0 : i32
      %dma_wait3A_213 = arith.constant 0 : i32
      %dma_wait3A_214 = tpu.memref_slice %arg6[%dma_wait3A_204, %dma_wait3A_212, %dma_wait3A_213] : memref<4x128x128xf32, #tpu.memory_space<vmem>> -> memref<1x128x128xf32, #tpu.memory_space<vmem>>
      %dma_wait3A_215 = tpu.memref_squeeze %dma_wait3A_214 : memref<1x128x128xf32, #tpu.memory_space<vmem>> -> memref<128x128xf32, #tpu.memory_space<vmem>>
      %dma_wait3A_216 = arith.constant 0 : i32
      %dma_wait3A_217 = arith.constant 0 : i32
      %dma_wait3A_218 = tpu.memref_slice %arg3[%dma_wait3A_216, %dma_wait3A_217] : memref<1000000x128xf32, #tpu.memory_space<hbm>> -> memref<128x128xf32, #tpu.memory_space<hbm>>
      tpu.wait_dma2 semaphore(%arg8 : memref<!tpu.dma_semaphore, #tpu.memory_space<semaphore_mem>>) src(%dma_wait3A_218 : memref<128x128xf32, #tpu.memory_space<hbm>>) dst(%dma_wait3A_215 : memref<128x128xf32, #tpu.memory_space<vmem>>)
      %add3A_219 = arith.constant 2 : i32
      %add3A_220 = arith.addi %mul3A_58, %add3A_219 : i32
      %add3A_221 = arith.constant 0 : i32
      %add3A_222 = arith.addi %add3A_220, %add3A_221 : i32
      %mul3A_223 = arith.constant 128 : i32
      %mul3A_224 = arith.muli %add3A_222, %mul3A_223 : i32
      %add3A_225 = arith.addi %mul3A_2, %mul3A_224 : i32
      %dma_start3A_226 = arith.constant 2 : i32
      %dma_start3A_227 = arith.constant 0 : i32
      %dma_start3A_228 = arith.constant 0 : i32
      %dma_start3A_229 = tpu.memref_slice %arg6[%dma_start3A_226, %dma_start3A_227, %dma_start3A_228] : memref<4x128x128xf32, #tpu.memory_space<vmem>> -> memref<1x128x64xf32, #tpu.memory_space<vmem>>
      %dma_start3A_230 = tpu.memref_squeeze %dma_start3A_229 : memref<1x128x64xf32, #tpu.memory_space<vmem>> -> memref<128x64xf32, #tpu.memory_space<vmem>>
      %dma_start3A_231 = arith.constant 0 : i32
      %dma_start3A_232 = tpu.memref_slice %arg4[%add3A_225, %dma_start3A_231] : memref<819200x64xf32, #tpu.memory_space<hbm>> -> memref<128x64xf32, #tpu.memory_space<hbm>>
      %dma_start3A_233 = arith.constant 0 : i32
      %dma_start3A_234 = tpu.memref_slice %arg4[%add3A_225, %dma_start3A_233] : memref<819200x64xf32, #tpu.memory_space<hbm>> -> memref<128x64xf32, #tpu.memory_space<hbm>>
      %dma_start3A_235 = arith.constant 0 : i32
      %dma_start3A_236 = arith.constant 0 : i32
      %dma_start3A_237 = tpu.memref_slice %arg6[%dma_start3A_226, %dma_start3A_235, %dma_start3A_236] : memref<4x128x128xf32, #tpu.memory_space<vmem>> -> memref<1x128x64xf32, #tpu.memory_space<vmem>>
      %dma_start3A_238 = tpu.memref_squeeze %dma_start3A_237 : memref<1x128x64xf32, #tpu.memory_space<vmem>> -> memref<128x64xf32, #tpu.memory_space<vmem>>
      tpu.enqueue_dma source(%dma_start3A_238 : memref<128x64xf32, #tpu.memory_space<vmem>>) target(%dma_start3A_234 : memref<128x64xf32, #tpu.memory_space<hbm>>) target_semaphore(%arg10 : memref<!tpu.dma_semaphore, #tpu.memory_space<semaphore_mem>>)
      %add3A_239 = arith.constant 2 : i32
      %add3A_240 = arith.addi %mul3A_58, %add3A_239 : i32
      %add3A_241 = arith.constant 1 : i32
      %add3A_242 = arith.addi %add3A_240, %add3A_241 : i32
      %mul3A_243 = arith.constant 128 : i32
      %mul3A_244 = arith.muli %add3A_242, %mul3A_243 : i32
      %add3A_245 = arith.addi %mul3A_2, %mul3A_244 : i32
      %dma_start3A_246 = arith.constant 3 : i32
      %dma_start3A_247 = arith.constant 0 : i32
      %dma_start3A_248 = arith.constant 0 : i32
      %dma_start3A_249 = tpu.memref_slice %arg6[%dma_start3A_246, %dma_start3A_247, %dma_start3A_248] : memref<4x128x128xf32, #tpu.memory_space<vmem>> -> memref<1x128x64xf32, #tpu.memory_space<vmem>>
      %dma_start3A_250 = tpu.memref_squeeze %dma_start3A_249 : memref<1x128x64xf32, #tpu.memory_space<vmem>> -> memref<128x64xf32, #tpu.memory_space<vmem>>
      %dma_start3A_251 = arith.constant 0 : i32
      %dma_start3A_252 = tpu.memref_slice %arg4[%add3A_245, %dma_start3A_251] : memref<819200x64xf32, #tpu.memory_space<hbm>> -> memref<128x64xf32, #tpu.memory_space<hbm>>
      %dma_start3A_253 = arith.constant 0 : i32
      %dma_start3A_254 = tpu.memref_slice %arg4[%add3A_245, %dma_start3A_253] : memref<819200x64xf32, #tpu.memory_space<hbm>> -> memref<128x64xf32, #tpu.memory_space<hbm>>
      %dma_start3A_255 = arith.constant 0 : i32
      %dma_start3A_256 = arith.constant 0 : i32
      %dma_start3A_257 = tpu.memref_slice %arg6[%dma_start3A_246, %dma_start3A_255, %dma_start3A_256] : memref<4x128x128xf32, #tpu.memory_space<vmem>> -> memref<1x128x64xf32, #tpu.memory_space<vmem>>
      %dma_start3A_258 = tpu.memref_squeeze %dma_start3A_257 : memref<1x128x64xf32, #tpu.memory_space<vmem>> -> memref<128x64xf32, #tpu.memory_space<vmem>>
      tpu.enqueue_dma source(%dma_start3A_258 : memref<128x64xf32, #tpu.memory_space<vmem>>) target(%dma_start3A_254 : memref<128x64xf32, #tpu.memory_space<hbm>>) target_semaphore(%arg10 : memref<!tpu.dma_semaphore, #tpu.memory_space<semaphore_mem>>)
    }
    %scan3A_30 = arith.constant 50 : i32
    %dma_wait3A = arith.constant 0 : i32
    %dma_wait3A_31 = arith.constant 0 : i32
    %dma_wait3A_32 = arith.constant 0 : i32
    %dma_wait3A_33 = tpu.memref_slice %arg6[%dma_wait3A, %dma_wait3A_31, %dma_wait3A_32] : memref<4x128x128xf32, #tpu.memory_space<vmem>> -> memref<1x128x64xf32, #tpu.memory_space<vmem>>
    %dma_wait3A_34 = tpu.memref_squeeze %dma_wait3A_33 : memref<1x128x64xf32, #tpu.memory_space<vmem>> -> memref<128x64xf32, #tpu.memory_space<vmem>>
    %dma_wait3A_35 = arith.constant 0 : i32
    %dma_wait3A_36 = tpu.memref_slice %arg4[%mul3A_2, %dma_wait3A_35] : memref<819200x64xf32, #tpu.memory_space<hbm>> -> memref<128x64xf32, #tpu.memory_space<hbm>>
    %dma_wait3A_37 = arith.constant 0 : i32
    %dma_wait3A_38 = tpu.memref_slice %arg4[%mul3A_2, %dma_wait3A_37] : memref<819200x64xf32, #tpu.memory_space<hbm>> -> memref<128x64xf32, #tpu.memory_space<hbm>>
    %dma_wait3A_39 = arith.constant 0 : i32
    %dma_wait3A_40 = arith.constant 0 : i32
    %dma_wait3A_41 = tpu.memref_slice %arg6[%dma_wait3A, %dma_wait3A_39, %dma_wait3A_40] : memref<4x128x128xf32, #tpu.memory_space<vmem>> -> memref<1x128x64xf32, #tpu.memory_space<vmem>>
    %dma_wait3A_42 = tpu.memref_squeeze %dma_wait3A_41 : memref<1x128x64xf32, #tpu.memory_space<vmem>> -> memref<128x64xf32, #tpu.memory_space<vmem>>
    tpu.wait_dma2 semaphore(%arg10 : memref<!tpu.dma_semaphore, #tpu.memory_space<semaphore_mem>>) src(%dma_wait3A_42 : memref<128x64xf32, #tpu.memory_space<vmem>>) dst(%dma_wait3A_38 : memref<128x64xf32, #tpu.memory_space<hbm>>)
    %dma_wait3A_43 = arith.constant 0 : i32
    %dma_wait3A_44 = arith.constant 0 : i32
    %dma_wait3A_45 = arith.constant 0 : i32
    %dma_wait3A_46 = tpu.memref_slice %arg6[%dma_wait3A_43, %dma_wait3A_44, %dma_wait3A_45] : memref<4x128x128xf32, #tpu.memory_space<vmem>> -> memref<1x128x64xf32, #tpu.memory_space<vmem>>
    %dma_wait3A_47 = tpu.memref_squeeze %dma_wait3A_46 : memref<1x128x64xf32, #tpu.memory_space<vmem>> -> memref<128x64xf32, #tpu.memory_space<vmem>>
    %dma_wait3A_48 = arith.constant 0 : i32
    %dma_wait3A_49 = tpu.memref_slice %arg4[%mul3A_2, %dma_wait3A_48] : memref<819200x64xf32, #tpu.memory_space<hbm>> -> memref<128x64xf32, #tpu.memory_space<hbm>>
    %dma_wait3A_50 = arith.constant 0 : i32
    %dma_wait3A_51 = tpu.memref_slice %arg4[%mul3A_2, %dma_wait3A_50] : memref<819200x64xf32, #tpu.memory_space<hbm>> -> memref<128x64xf32, #tpu.memory_space<hbm>>
    %dma_wait3A_52 = arith.constant 0 : i32
    %dma_wait3A_53 = arith.constant 0 : i32
    %dma_wait3A_54 = tpu.memref_slice %arg6[%dma_wait3A_43, %dma_wait3A_52, %dma_wait3A_53] : memref<4x128x128xf32, #tpu.memory_space<vmem>> -> memref<1x128x64xf32, #tpu.memory_space<vmem>>
    %dma_wait3A_55 = tpu.memref_squeeze %dma_wait3A_54 : memref<1x128x64xf32, #tpu.memory_space<vmem>> -> memref<128x64xf32, #tpu.memory_space<vmem>>
    tpu.wait_dma2 semaphore(%arg10 : memref<!tpu.dma_semaphore, #tpu.memory_space<semaphore_mem>>) src(%dma_wait3A_55 : memref<128x64xf32, #tpu.memory_space<vmem>>) dst(%dma_wait3A_51 : memref<128x64xf32, #tpu.memory_space<hbm>>)
    return
  }
}

module attributes {stable_mosaic.version = 14 : i64} {
  func.func @body(%arg0: i32, %arg1: memref<64x4096xf32, #tpu.memory_space<vmem>>, %arg2: memref<4096x128xf32, #tpu.memory_space<vmem>>) attributes {dimension_semantics = [#tpu.dimension_semantics<arbitrary>], iteration_bounds = array<i64: 245>, scalar_prefetch = 0 : i64, scratch_operands = 0 : i64, tpu.core_type = #tpu.core_type<tc>, window_params = [{transform_indices = @transform_0, window_bounds = array<i64: 64, 4096>}, {transform_indices = @transform_1, window_bounds = array<i64: 4096, 128>}]} {
    %get3A = arith.constant 0 : index
    %get3A_0 = arith.constant 0 : index
    %get3A_1 = vector.load %arg1[%get3A, %get3A_0] : memref<64x4096xf32, #tpu.memory_space<vmem>>, vector<64x4096xf32>
    %transpose3A = tpu.transpose %get3A_1, [1, 0] : vector<64x4096xf32> -> vector<4096x64xf32>
    %swap3A = arith.constant 0 : index
    %swap3A_2 = arith.constant 0 : index
    %swap3A_3 = vector.load %arg2[%swap3A, %swap3A_2] : memref<4096x128xf32, #tpu.memory_space<vmem>>, vector<4096x64xf32>
    tpu.vector_store %arg2[%swap3A, %swap3A_2], %transpose3A {strides = array<i32>} : memref<4096x128xf32, #tpu.memory_space<vmem>>, vector<4096x64xf32>,
    return
  }
  func.func @transform_0(%arg0: i32) -> (i32, i32) {
    %c0_i32 = arith.constant 0 : i32
    %c0_i32_0 = arith.constant 0 : i32
    return %c0_i32, %arg0 : i32, i32
  }
  func.func @transform_1(%arg0: i32) -> (i32, i32) {
    %c0_i32 = arith.constant 0 : i32
    %c0_i32_0 = arith.constant 0 : i32
    return %arg0, %c0_i32 : i32, i32
  }
}

module attributes {stable_mosaic.version = 14 : i64} {
  func.func @body(%arg0: i32, %arg1: memref<3200x128xf32, #tpu.memory_space<vmem>>, %arg2: memref<25x128x128xf32, #tpu.memory_space<vmem>>) attributes {dimension_semantics = [#tpu.dimension_semantics<arbitrary>], iteration_bounds = array<i64: 128>, scalar_prefetch = 0 : i64, scratch_operands = 0 : i64, tpu.core_type = #tpu.core_type<tc>, window_params = [{transform_indices = @transform_0, window_bounds = array<i64: 3200, 128>}, {transform_indices = @transform_1, window_bounds = array<i64: 25, 128, 128>}]} {
    %get3A = arith.constant 0 : index
    %get3A_0 = arith.constant 0 : index
    %get3A_1 = vector.load %arg1[%get3A, %get3A_0] : memref<3200x128xf32, #tpu.memory_space<vmem>>, vector<3200x128xf32>
    %reshape3A = vector.shape_cast %get3A_1 : vector<3200x128xf32> to vector<128x25x128xf32>
    %slice3A = vector.extract_strided_slice %reshape3A {offsets = [0, 0, 0], sizes = [128, 1, 128], strides = [1, 1, 1]} : vector<128x25x128xf32> to vector<128x1x128xf32>
    %squeeze3A = vector.shape_cast %slice3A : vector<128x1x128xf32> to vector<128x128xf32>
    %transpose3A = tpu.transpose %squeeze3A, [1, 0] : vector<128x128xf32> -> vector<128x128xf32>
    %swap3A = arith.constant 0 : index
    %swap3A_2 = arith.constant 0 : index
    %swap3A_3 = arith.constant 0 : index
    %swap3A_4 = vector.load %arg2[%swap3A, %swap3A_2, %swap3A_3] : memref<25x128x128xf32, #tpu.memory_space<vmem>>, vector<1x128x128xf32>
    %swap3A_5 = vector.shape_cast %swap3A_4 : vector<1x128x128xf32> to vector<128x128xf32>
    %swap3A_6 = vector.shape_cast %transpose3A : vector<128x128xf32> to vector<1x128x128xf32>
    tpu.vector_store %arg2[%swap3A, %swap3A_2, %swap3A_3], %swap3A_6 {strides = array<i32>} : memref<25x128x128xf32, #tpu.memory_space<vmem>>, vector<1x128x128xf32>,
    %slice3A_7 = vector.extract_strided_slice %reshape3A {offsets = [0, 1, 0], sizes = [128, 1, 128], strides = [1, 1, 1]} : vector<128x25x128xf32> to vector<128x1x128xf32>
    %squeeze3A_8 = vector.shape_cast %slice3A_7 : vector<128x1x128xf32> to vector<128x128xf32>
    %transpose3A_9 = tpu.transpose %squeeze3A_8, [1, 0] : vector<128x128xf32> -> vector<128x128xf32>
    %swap3A_10 = arith.constant 1 : index
    %swap3A_11 = arith.constant 0 : index
    %swap3A_12 = arith.constant 0 : index
    %swap3A_13 = vector.load %arg2[%swap3A_10, %swap3A_11, %swap3A_12] : memref<25x128x128xf32, #tpu.memory_space<vmem>>, vector<1x128x128xf32>
    %swap3A_14 = vector.shape_cast %swap3A_13 : vector<1x128x128xf32> to vector<128x128xf32>
    %swap3A_15 = vector.shape_cast %transpose3A_9 : vector<128x128xf32> to vector<1x128x128xf32>
    tpu.vector_store %arg2[%swap3A_10, %swap3A_11, %swap3A_12], %swap3A_15 {strides = array<i32>} : memref<25x128x128xf32, #tpu.memory_space<vmem>>, vector<1x128x128xf32>,
    %slice3A_16 = vector.extract_strided_slice %reshape3A {offsets = [0, 2, 0], sizes = [128, 1, 128], strides = [1, 1, 1]} : vector<128x25x128xf32> to vector<128x1x128xf32>
    %squeeze3A_17 = vector.shape_cast %slice3A_16 : vector<128x1x128xf32> to vector<128x128xf32>
    %transpose3A_18 = tpu.transpose %squeeze3A_17, [1, 0] : vector<128x128xf32> -> vector<128x128xf32>
    %swap3A_19 = arith.constant 2 : index
    %swap3A_20 = arith.constant 0 : index
    %swap3A_21 = arith.constant 0 : index
    %swap3A_22 = vector.load %arg2[%swap3A_19, %swap3A_20, %swap3A_21] : memref<25x128x128xf32, #tpu.memory_space<vmem>>, vector<1x128x128xf32>
    %swap3A_23 = vector.shape_cast %swap3A_22 : vector<1x128x128xf32> to vector<128x128xf32>
    %swap3A_24 = vector.shape_cast %transpose3A_18 : vector<128x128xf32> to vector<1x128x128xf32>
    tpu.vector_store %arg2[%swap3A_19, %swap3A_20, %swap3A_21], %swap3A_24 {strides = array<i32>} : memref<25x128x128xf32, #tpu.memory_space<vmem>>, vector<1x128x128xf32>,
    %slice3A_25 = vector.extract_strided_slice %reshape3A {offsets = [0, 3, 0], sizes = [128, 1, 128], strides = [1, 1, 1]} : vector<128x25x128xf32> to vector<128x1x128xf32>
    %squeeze3A_26 = vector.shape_cast %slice3A_25 : vector<128x1x128xf32> to vector<128x128xf32>
    %transpose3A_27 = tpu.transpose %squeeze3A_26, [1, 0] : vector<128x128xf32> -> vector<128x128xf32>
    %swap3A_28 = arith.constant 3 : index
    %swap3A_29 = arith.constant 0 : index
    %swap3A_30 = arith.constant 0 : index
    %swap3A_31 = vector.load %arg2[%swap3A_28, %swap3A_29, %swap3A_30] : memref<25x128x128xf32, #tpu.memory_space<vmem>>, vector<1x128x128xf32>
    %swap3A_32 = vector.shape_cast %swap3A_31 : vector<1x128x128xf32> to vector<128x128xf32>
    %swap3A_33 = vector.shape_cast %transpose3A_27 : vector<128x128xf32> to vector<1x128x128xf32>
    tpu.vector_store %arg2[%swap3A_28, %swap3A_29, %swap3A_30], %swap3A_33 {strides = array<i32>} : memref<25x128x128xf32, #tpu.memory_space<vmem>>, vector<1x128x128xf32>,
    %slice3A_34 = vector.extract_strided_slice %reshape3A {offsets = [0, 4, 0], sizes = [128, 1, 128], strides = [1, 1, 1]} : vector<128x25x128xf32> to vector<128x1x128xf32>
    %squeeze3A_35 = vector.shape_cast %slice3A_34 : vector<128x1x128xf32> to vector<128x128xf32>
    %transpose3A_36 = tpu.transpose %squeeze3A_35, [1, 0] : vector<128x128xf32> -> vector<128x128xf32>
    %swap3A_37 = arith.constant 4 : index
    %swap3A_38 = arith.constant 0 : index
    %swap3A_39 = arith.constant 0 : index
    %swap3A_40 = vector.load %arg2[%swap3A_37, %swap3A_38, %swap3A_39] : memref<25x128x128xf32, #tpu.memory_space<vmem>>, vector<1x128x128xf32>
    %swap3A_41 = vector.shape_cast %swap3A_40 : vector<1x128x128xf32> to vector<128x128xf32>
    %swap3A_42 = vector.shape_cast %transpose3A_36 : vector<128x128xf32> to vector<1x128x128xf32>
    tpu.vector_store %arg2[%swap3A_37, %swap3A_38, %swap3A_39], %swap3A_42 {strides = array<i32>} : memref<25x128x128xf32, #tpu.memory_space<vmem>>, vector<1x128x128xf32>,
    %slice3A_43 = vector.extract_strided_slice %reshape3A {offsets = [0, 5, 0], sizes = [128, 1, 128], strides = [1, 1, 1]} : vector<128x25x128xf32> to vector<128x1x128xf32>
    %squeeze3A_44 = vector.shape_cast %slice3A_43 : vector<128x1x128xf32> to vector<128x128xf32>
    %transpose3A_45 = tpu.transpose %squeeze3A_44, [1, 0] : vector<128x128xf32> -> vector<128x128xf32>
    %swap3A_46 = arith.constant 5 : index
    %swap3A_47 = arith.constant 0 : index
    %swap3A_48 = arith.constant 0 : index
    %swap3A_49 = vector.load %arg2[%swap3A_46, %swap3A_47, %swap3A_48] : memref<25x128x128xf32, #tpu.memory_space<vmem>>, vector<1x128x128xf32>
    %swap3A_50 = vector.shape_cast %swap3A_49 : vector<1x128x128xf32> to vector<128x128xf32>
    %swap3A_51 = vector.shape_cast %transpose3A_45 : vector<128x128xf32> to vector<1x128x128xf32>
    tpu.vector_store %arg2[%swap3A_46, %swap3A_47, %swap3A_48], %swap3A_51 {strides = array<i32>} : memref<25x128x128xf32, #tpu.memory_space<vmem>>, vector<1x128x128xf32>,
    %slice3A_52 = vector.extract_strided_slice %reshape3A {offsets = [0, 6, 0], sizes = [128, 1, 128], strides = [1, 1, 1]} : vector<128x25x128xf32> to vector<128x1x128xf32>
    %squeeze3A_53 = vector.shape_cast %slice3A_52 : vector<128x1x128xf32> to vector<128x128xf32>
    %transpose3A_54 = tpu.transpose %squeeze3A_53, [1, 0] : vector<128x128xf32> -> vector<128x128xf32>
    %swap3A_55 = arith.constant 6 : index
    %swap3A_56 = arith.constant 0 : index
    %swap3A_57 = arith.constant 0 : index
    %swap3A_58 = vector.load %arg2[%swap3A_55, %swap3A_56, %swap3A_57] : memref<25x128x128xf32, #tpu.memory_space<vmem>>, vector<1x128x128xf32>
    %swap3A_59 = vector.shape_cast %swap3A_58 : vector<1x128x128xf32> to vector<128x128xf32>
    %swap3A_60 = vector.shape_cast %transpose3A_54 : vector<128x128xf32> to vector<1x128x128xf32>
    tpu.vector_store %arg2[%swap3A_55, %swap3A_56, %swap3A_57], %swap3A_60 {strides = array<i32>} : memref<25x128x128xf32, #tpu.memory_space<vmem>>, vector<1x128x128xf32>,
    %slice3A_61 = vector.extract_strided_slice %reshape3A {offsets = [0, 7, 0], sizes = [128, 1, 128], strides = [1, 1, 1]} : vector<128x25x128xf32> to vector<128x1x128xf32>
    %squeeze3A_62 = vector.shape_cast %slice3A_61 : vector<128x1x128xf32> to vector<128x128xf32>
    %transpose3A_63 = tpu.transpose %squeeze3A_62, [1, 0] : vector<128x128xf32> -> vector<128x128xf32>
    %swap3A_64 = arith.constant 7 : index
    %swap3A_65 = arith.constant 0 : index
    %swap3A_66 = arith.constant 0 : index
    %swap3A_67 = vector.load %arg2[%swap3A_64, %swap3A_65, %swap3A_66] : memref<25x128x128xf32, #tpu.memory_space<vmem>>, vector<1x128x128xf32>
    %swap3A_68 = vector.shape_cast %swap3A_67 : vector<1x128x128xf32> to vector<128x128xf32>
    %swap3A_69 = vector.shape_cast %transpose3A_63 : vector<128x128xf32> to vector<1x128x128xf32>
    tpu.vector_store %arg2[%swap3A_64, %swap3A_65, %swap3A_66], %swap3A_69 {strides = array<i32>} : memref<25x128x128xf32, #tpu.memory_space<vmem>>, vector<1x128x128xf32>,
    %slice3A_70 = vector.extract_strided_slice %reshape3A {offsets = [0, 8, 0], sizes = [128, 1, 128], strides = [1, 1, 1]} : vector<128x25x128xf32> to vector<128x1x128xf32>
    %squeeze3A_71 = vector.shape_cast %slice3A_70 : vector<128x1x128xf32> to vector<128x128xf32>
    %transpose3A_72 = tpu.transpose %squeeze3A_71, [1, 0] : vector<128x128xf32> -> vector<128x128xf32>
    %swap3A_73 = arith.constant 8 : index
    %swap3A_74 = arith.constant 0 : index
    %swap3A_75 = arith.constant 0 : index
    %swap3A_76 = vector.load %arg2[%swap3A_73, %swap3A_74, %swap3A_75] : memref<25x128x128xf32, #tpu.memory_space<vmem>>, vector<1x128x128xf32>
    %swap3A_77 = vector.shape_cast %swap3A_76 : vector<1x128x128xf32> to vector<128x128xf32>
    %swap3A_78 = vector.shape_cast %transpose3A_72 : vector<128x128xf32> to vector<1x128x128xf32>
    tpu.vector_store %arg2[%swap3A_73, %swap3A_74, %swap3A_75], %swap3A_78 {strides = array<i32>} : memref<25x128x128xf32, #tpu.memory_space<vmem>>, vector<1x128x128xf32>,
    %slice3A_79 = vector.extract_strided_slice %reshape3A {offsets = [0, 9, 0], sizes = [128, 1, 128], strides = [1, 1, 1]} : vector<128x25x128xf32> to vector<128x1x128xf32>
    %squeeze3A_80 = vector.shape_cast %slice3A_79 : vector<128x1x128xf32> to vector<128x128xf32>
    %transpose3A_81 = tpu.transpose %squeeze3A_80, [1, 0] : vector<128x128xf32> -> vector<128x128xf32>
    %swap3A_82 = arith.constant 9 : index
    %swap3A_83 = arith.constant 0 : index
    %swap3A_84 = arith.constant 0 : index
    %swap3A_85 = vector.load %arg2[%swap3A_82, %swap3A_83, %swap3A_84] : memref<25x128x128xf32, #tpu.memory_space<vmem>>, vector<1x128x128xf32>
    %swap3A_86 = vector.shape_cast %swap3A_85 : vector<1x128x128xf32> to vector<128x128xf32>
    %swap3A_87 = vector.shape_cast %transpose3A_81 : vector<128x128xf32> to vector<1x128x128xf32>
    tpu.vector_store %arg2[%swap3A_82, %swap3A_83, %swap3A_84], %swap3A_87 {strides = array<i32>} : memref<25x128x128xf32, #tpu.memory_space<vmem>>, vector<1x128x128xf32>,
    %slice3A_88 = vector.extract_strided_slice %reshape3A {offsets = [0, 10, 0], sizes = [128, 1, 128], strides = [1, 1, 1]} : vector<128x25x128xf32> to vector<128x1x128xf32>
    %squeeze3A_89 = vector.shape_cast %slice3A_88 : vector<128x1x128xf32> to vector<128x128xf32>
    %transpose3A_90 = tpu.transpose %squeeze3A_89, [1, 0] : vector<128x128xf32> -> vector<128x128xf32>
    %swap3A_91 = arith.constant 10 : index
    %swap3A_92 = arith.constant 0 : index
    %swap3A_93 = arith.constant 0 : index
    %swap3A_94 = vector.load %arg2[%swap3A_91, %swap3A_92, %swap3A_93] : memref<25x128x128xf32, #tpu.memory_space<vmem>>, vector<1x128x128xf32>
    %swap3A_95 = vector.shape_cast %swap3A_94 : vector<1x128x128xf32> to vector<128x128xf32>
    %swap3A_96 = vector.shape_cast %transpose3A_90 : vector<128x128xf32> to vector<1x128x128xf32>
    tpu.vector_store %arg2[%swap3A_91, %swap3A_92, %swap3A_93], %swap3A_96 {strides = array<i32>} : memref<25x128x128xf32, #tpu.memory_space<vmem>>, vector<1x128x128xf32>,
    %slice3A_97 = vector.extract_strided_slice %reshape3A {offsets = [0, 11, 0], sizes = [128, 1, 128], strides = [1, 1, 1]} : vector<128x25x128xf32> to vector<128x1x128xf32>
    %squeeze3A_98 = vector.shape_cast %slice3A_97 : vector<128x1x128xf32> to vector<128x128xf32>
    %transpose3A_99 = tpu.transpose %squeeze3A_98, [1, 0] : vector<128x128xf32> -> vector<128x128xf32>
    %swap3A_100 = arith.constant 11 : index
    %swap3A_101 = arith.constant 0 : index
    %swap3A_102 = arith.constant 0 : index
    %swap3A_103 = vector.load %arg2[%swap3A_100, %swap3A_101, %swap3A_102] : memref<25x128x128xf32, #tpu.memory_space<vmem>>, vector<1x128x128xf32>
    %swap3A_104 = vector.shape_cast %swap3A_103 : vector<1x128x128xf32> to vector<128x128xf32>
    %swap3A_105 = vector.shape_cast %transpose3A_99 : vector<128x128xf32> to vector<1x128x128xf32>
    tpu.vector_store %arg2[%swap3A_100, %swap3A_101, %swap3A_102], %swap3A_105 {strides = array<i32>} : memref<25x128x128xf32, #tpu.memory_space<vmem>>, vector<1x128x128xf32>,
    %slice3A_106 = vector.extract_strided_slice %reshape3A {offsets = [0, 12, 0], sizes = [128, 1, 128], strides = [1, 1, 1]} : vector<128x25x128xf32> to vector<128x1x128xf32>
    %squeeze3A_107 = vector.shape_cast %slice3A_106 : vector<128x1x128xf32> to vector<128x128xf32>
    %transpose3A_108 = tpu.transpose %squeeze3A_107, [1, 0] : vector<128x128xf32> -> vector<128x128xf32>
    %swap3A_109 = arith.constant 12 : index
    %swap3A_110 = arith.constant 0 : index
    %swap3A_111 = arith.constant 0 : index
    %swap3A_112 = vector.load %arg2[%swap3A_109, %swap3A_110, %swap3A_111] : memref<25x128x128xf32, #tpu.memory_space<vmem>>, vector<1x128x128xf32>
    %swap3A_113 = vector.shape_cast %swap3A_112 : vector<1x128x128xf32> to vector<128x128xf32>
    %swap3A_114 = vector.shape_cast %transpose3A_108 : vector<128x128xf32> to vector<1x128x128xf32>
    tpu.vector_store %arg2[%swap3A_109, %swap3A_110, %swap3A_111], %swap3A_114 {strides = array<i32>} : memref<25x128x128xf32, #tpu.memory_space<vmem>>, vector<1x128x128xf32>,
    %slice3A_115 = vector.extract_strided_slice %reshape3A {offsets = [0, 13, 0], sizes = [128, 1, 128], strides = [1, 1, 1]} : vector<128x25x128xf32> to vector<128x1x128xf32>
    %squeeze3A_116 = vector.shape_cast %slice3A_115 : vector<128x1x128xf32> to vector<128x128xf32>
    %transpose3A_117 = tpu.transpose %squeeze3A_116, [1, 0] : vector<128x128xf32> -> vector<128x128xf32>
    %swap3A_118 = arith.constant 13 : index
    %swap3A_119 = arith.constant 0 : index
    %swap3A_120 = arith.constant 0 : index
    %swap3A_121 = vector.load %arg2[%swap3A_118, %swap3A_119, %swap3A_120] : memref<25x128x128xf32, #tpu.memory_space<vmem>>, vector<1x128x128xf32>
    %swap3A_122 = vector.shape_cast %swap3A_121 : vector<1x128x128xf32> to vector<128x128xf32>
    %swap3A_123 = vector.shape_cast %transpose3A_117 : vector<128x128xf32> to vector<1x128x128xf32>
    tpu.vector_store %arg2[%swap3A_118, %swap3A_119, %swap3A_120], %swap3A_123 {strides = array<i32>} : memref<25x128x128xf32, #tpu.memory_space<vmem>>, vector<1x128x128xf32>,
    %slice3A_124 = vector.extract_strided_slice %reshape3A {offsets = [0, 14, 0], sizes = [128, 1, 128], strides = [1, 1, 1]} : vector<128x25x128xf32> to vector<128x1x128xf32>
    %squeeze3A_125 = vector.shape_cast %slice3A_124 : vector<128x1x128xf32> to vector<128x128xf32>
    %transpose3A_126 = tpu.transpose %squeeze3A_125, [1, 0] : vector<128x128xf32> -> vector<128x128xf32>
    %swap3A_127 = arith.constant 14 : index
    %swap3A_128 = arith.constant 0 : index
    %swap3A_129 = arith.constant 0 : index
    %swap3A_130 = vector.load %arg2[%swap3A_127, %swap3A_128, %swap3A_129] : memref<25x128x128xf32, #tpu.memory_space<vmem>>, vector<1x128x128xf32>
    %swap3A_131 = vector.shape_cast %swap3A_130 : vector<1x128x128xf32> to vector<128x128xf32>
    %swap3A_132 = vector.shape_cast %transpose3A_126 : vector<128x128xf32> to vector<1x128x128xf32>
    tpu.vector_store %arg2[%swap3A_127, %swap3A_128, %swap3A_129], %swap3A_132 {strides = array<i32>} : memref<25x128x128xf32, #tpu.memory_space<vmem>>, vector<1x128x128xf32>,
    %slice3A_133 = vector.extract_strided_slice %reshape3A {offsets = [0, 15, 0], sizes = [128, 1, 128], strides = [1, 1, 1]} : vector<128x25x128xf32> to vector<128x1x128xf32>
    %squeeze3A_134 = vector.shape_cast %slice3A_133 : vector<128x1x128xf32> to vector<128x128xf32>
    %transpose3A_135 = tpu.transpose %squeeze3A_134, [1, 0] : vector<128x128xf32> -> vector<128x128xf32>
    %swap3A_136 = arith.constant 15 : index
    %swap3A_137 = arith.constant 0 : index
    %swap3A_138 = arith.constant 0 : index
    %swap3A_139 = vector.load %arg2[%swap3A_136, %swap3A_137, %swap3A_138] : memref<25x128x128xf32, #tpu.memory_space<vmem>>, vector<1x128x128xf32>
    %swap3A_140 = vector.shape_cast %swap3A_139 : vector<1x128x128xf32> to vector<128x128xf32>
    %swap3A_141 = vector.shape_cast %transpose3A_135 : vector<128x128xf32> to vector<1x128x128xf32>
    tpu.vector_store %arg2[%swap3A_136, %swap3A_137, %swap3A_138], %swap3A_141 {strides = array<i32>} : memref<25x128x128xf32, #tpu.memory_space<vmem>>, vector<1x128x128xf32>,
    %slice3A_142 = vector.extract_strided_slice %reshape3A {offsets = [0, 16, 0], sizes = [128, 1, 128], strides = [1, 1, 1]} : vector<128x25x128xf32> to vector<128x1x128xf32>
    %squeeze3A_143 = vector.shape_cast %slice3A_142 : vector<128x1x128xf32> to vector<128x128xf32>
    %transpose3A_144 = tpu.transpose %squeeze3A_143, [1, 0] : vector<128x128xf32> -> vector<128x128xf32>
    %swap3A_145 = arith.constant 16 : index
    %swap3A_146 = arith.constant 0 : index
    %swap3A_147 = arith.constant 0 : index
    %swap3A_148 = vector.load %arg2[%swap3A_145, %swap3A_146, %swap3A_147] : memref<25x128x128xf32, #tpu.memory_space<vmem>>, vector<1x128x128xf32>
    %swap3A_149 = vector.shape_cast %swap3A_148 : vector<1x128x128xf32> to vector<128x128xf32>
    %swap3A_150 = vector.shape_cast %transpose3A_144 : vector<128x128xf32> to vector<1x128x128xf32>
    tpu.vector_store %arg2[%swap3A_145, %swap3A_146, %swap3A_147], %swap3A_150 {strides = array<i32>} : memref<25x128x128xf32, #tpu.memory_space<vmem>>, vector<1x128x128xf32>,
    %slice3A_151 = vector.extract_strided_slice %reshape3A {offsets = [0, 17, 0], sizes = [128, 1, 128], strides = [1, 1, 1]} : vector<128x25x128xf32> to vector<128x1x128xf32>
    %squeeze3A_152 = vector.shape_cast %slice3A_151 : vector<128x1x128xf32> to vector<128x128xf32>
    %transpose3A_153 = tpu.transpose %squeeze3A_152, [1, 0] : vector<128x128xf32> -> vector<128x128xf32>
    %swap3A_154 = arith.constant 17 : index
    %swap3A_155 = arith.constant 0 : index
    %swap3A_156 = arith.constant 0 : index
    %swap3A_157 = vector.load %arg2[%swap3A_154, %swap3A_155, %swap3A_156] : memref<25x128x128xf32, #tpu.memory_space<vmem>>, vector<1x128x128xf32>
    %swap3A_158 = vector.shape_cast %swap3A_157 : vector<1x128x128xf32> to vector<128x128xf32>
    %swap3A_159 = vector.shape_cast %transpose3A_153 : vector<128x128xf32> to vector<1x128x128xf32>
    tpu.vector_store %arg2[%swap3A_154, %swap3A_155, %swap3A_156], %swap3A_159 {strides = array<i32>} : memref<25x128x128xf32, #tpu.memory_space<vmem>>, vector<1x128x128xf32>,
    %slice3A_160 = vector.extract_strided_slice %reshape3A {offsets = [0, 18, 0], sizes = [128, 1, 128], strides = [1, 1, 1]} : vector<128x25x128xf32> to vector<128x1x128xf32>
    %squeeze3A_161 = vector.shape_cast %slice3A_160 : vector<128x1x128xf32> to vector<128x128xf32>
    %transpose3A_162 = tpu.transpose %squeeze3A_161, [1, 0] : vector<128x128xf32> -> vector<128x128xf32>
    %swap3A_163 = arith.constant 18 : index
    %swap3A_164 = arith.constant 0 : index
    %swap3A_165 = arith.constant 0 : index
    %swap3A_166 = vector.load %arg2[%swap3A_163, %swap3A_164, %swap3A_165] : memref<25x128x128xf32, #tpu.memory_space<vmem>>, vector<1x128x128xf32>
    %swap3A_167 = vector.shape_cast %swap3A_166 : vector<1x128x128xf32> to vector<128x128xf32>
    %swap3A_168 = vector.shape_cast %transpose3A_162 : vector<128x128xf32> to vector<1x128x128xf32>
    tpu.vector_store %arg2[%swap3A_163, %swap3A_164, %swap3A_165], %swap3A_168 {strides = array<i32>} : memref<25x128x128xf32, #tpu.memory_space<vmem>>, vector<1x128x128xf32>,
    %slice3A_169 = vector.extract_strided_slice %reshape3A {offsets = [0, 19, 0], sizes = [128, 1, 128], strides = [1, 1, 1]} : vector<128x25x128xf32> to vector<128x1x128xf32>
    %squeeze3A_170 = vector.shape_cast %slice3A_169 : vector<128x1x128xf32> to vector<128x128xf32>
    %transpose3A_171 = tpu.transpose %squeeze3A_170, [1, 0] : vector<128x128xf32> -> vector<128x128xf32>
    %swap3A_172 = arith.constant 19 : index
    %swap3A_173 = arith.constant 0 : index
    %swap3A_174 = arith.constant 0 : index
    %swap3A_175 = vector.load %arg2[%swap3A_172, %swap3A_173, %swap3A_174] : memref<25x128x128xf32, #tpu.memory_space<vmem>>, vector<1x128x128xf32>
    %swap3A_176 = vector.shape_cast %swap3A_175 : vector<1x128x128xf32> to vector<128x128xf32>
    %swap3A_177 = vector.shape_cast %transpose3A_171 : vector<128x128xf32> to vector<1x128x128xf32>
    tpu.vector_store %arg2[%swap3A_172, %swap3A_173, %swap3A_174], %swap3A_177 {strides = array<i32>} : memref<25x128x128xf32, #tpu.memory_space<vmem>>, vector<1x128x128xf32>,
    %slice3A_178 = vector.extract_strided_slice %reshape3A {offsets = [0, 20, 0], sizes = [128, 1, 128], strides = [1, 1, 1]} : vector<128x25x128xf32> to vector<128x1x128xf32>
    %squeeze3A_179 = vector.shape_cast %slice3A_178 : vector<128x1x128xf32> to vector<128x128xf32>
    %transpose3A_180 = tpu.transpose %squeeze3A_179, [1, 0] : vector<128x128xf32> -> vector<128x128xf32>
    %swap3A_181 = arith.constant 20 : index
    %swap3A_182 = arith.constant 0 : index
    %swap3A_183 = arith.constant 0 : index
    %swap3A_184 = vector.load %arg2[%swap3A_181, %swap3A_182, %swap3A_183] : memref<25x128x128xf32, #tpu.memory_space<vmem>>, vector<1x128x128xf32>
    %swap3A_185 = vector.shape_cast %swap3A_184 : vector<1x128x128xf32> to vector<128x128xf32>
    %swap3A_186 = vector.shape_cast %transpose3A_180 : vector<128x128xf32> to vector<1x128x128xf32>
    tpu.vector_store %arg2[%swap3A_181, %swap3A_182, %swap3A_183], %swap3A_186 {strides = array<i32>} : memref<25x128x128xf32, #tpu.memory_space<vmem>>, vector<1x128x128xf32>,
    %slice3A_187 = vector.extract_strided_slice %reshape3A {offsets = [0, 21, 0], sizes = [128, 1, 128], strides = [1, 1, 1]} : vector<128x25x128xf32> to vector<128x1x128xf32>
    %squeeze3A_188 = vector.shape_cast %slice3A_187 : vector<128x1x128xf32> to vector<128x128xf32>
    %transpose3A_189 = tpu.transpose %squeeze3A_188, [1, 0] : vector<128x128xf32> -> vector<128x128xf32>
    %swap3A_190 = arith.constant 21 : index
    %swap3A_191 = arith.constant 0 : index
    %swap3A_192 = arith.constant 0 : index
    %swap3A_193 = vector.load %arg2[%swap3A_190, %swap3A_191, %swap3A_192] : memref<25x128x128xf32, #tpu.memory_space<vmem>>, vector<1x128x128xf32>
    %swap3A_194 = vector.shape_cast %swap3A_193 : vector<1x128x128xf32> to vector<128x128xf32>
    %swap3A_195 = vector.shape_cast %transpose3A_189 : vector<128x128xf32> to vector<1x128x128xf32>
    tpu.vector_store %arg2[%swap3A_190, %swap3A_191, %swap3A_192], %swap3A_195 {strides = array<i32>} : memref<25x128x128xf32, #tpu.memory_space<vmem>>, vector<1x128x128xf32>,
    %slice3A_196 = vector.extract_strided_slice %reshape3A {offsets = [0, 22, 0], sizes = [128, 1, 128], strides = [1, 1, 1]} : vector<128x25x128xf32> to vector<128x1x128xf32>
    %squeeze3A_197 = vector.shape_cast %slice3A_196 : vector<128x1x128xf32> to vector<128x128xf32>
    %transpose3A_198 = tpu.transpose %squeeze3A_197, [1, 0] : vector<128x128xf32> -> vector<128x128xf32>
    %swap3A_199 = arith.constant 22 : index
    %swap3A_200 = arith.constant 0 : index
    %swap3A_201 = arith.constant 0 : index
    %swap3A_202 = vector.load %arg2[%swap3A_199, %swap3A_200, %swap3A_201] : memref<25x128x128xf32, #tpu.memory_space<vmem>>, vector<1x128x128xf32>
    %swap3A_203 = vector.shape_cast %swap3A_202 : vector<1x128x128xf32> to vector<128x128xf32>
    %swap3A_204 = vector.shape_cast %transpose3A_198 : vector<128x128xf32> to vector<1x128x128xf32>
    tpu.vector_store %arg2[%swap3A_199, %swap3A_200, %swap3A_201], %swap3A_204 {strides = array<i32>} : memref<25x128x128xf32, #tpu.memory_space<vmem>>, vector<1x128x128xf32>,
    %slice3A_205 = vector.extract_strided_slice %reshape3A {offsets = [0, 23, 0], sizes = [128, 1, 128], strides = [1, 1, 1]} : vector<128x25x128xf32> to vector<128x1x128xf32>
    %squeeze3A_206 = vector.shape_cast %slice3A_205 : vector<128x1x128xf32> to vector<128x128xf32>
    %transpose3A_207 = tpu.transpose %squeeze3A_206, [1, 0] : vector<128x128xf32> -> vector<128x128xf32>
    %swap3A_208 = arith.constant 23 : index
    %swap3A_209 = arith.constant 0 : index
    %swap3A_210 = arith.constant 0 : index
    %swap3A_211 = vector.load %arg2[%swap3A_208, %swap3A_209, %swap3A_210] : memref<25x128x128xf32, #tpu.memory_space<vmem>>, vector<1x128x128xf32>
    %swap3A_212 = vector.shape_cast %swap3A_211 : vector<1x128x128xf32> to vector<128x128xf32>
    %swap3A_213 = vector.shape_cast %transpose3A_207 : vector<128x128xf32> to vector<1x128x128xf32>
    tpu.vector_store %arg2[%swap3A_208, %swap3A_209, %swap3A_210], %swap3A_213 {strides = array<i32>} : memref<25x128x128xf32, #tpu.memory_space<vmem>>, vector<1x128x128xf32>,
    %slice3A_214 = vector.extract_strided_slice %reshape3A {offsets = [0, 24, 0], sizes = [128, 1, 128], strides = [1, 1, 1]} : vector<128x25x128xf32> to vector<128x1x128xf32>
    %squeeze3A_215 = vector.shape_cast %slice3A_214 : vector<128x1x128xf32> to vector<128x128xf32>
    %transpose3A_216 = tpu.transpose %squeeze3A_215, [1, 0] : vector<128x128xf32> -> vector<128x128xf32>
    %swap3A_217 = arith.constant 24 : index
    %swap3A_218 = arith.constant 0 : index
    %swap3A_219 = arith.constant 0 : index
    %swap3A_220 = vector.load %arg2[%swap3A_217, %swap3A_218, %swap3A_219] : memref<25x128x128xf32, #tpu.memory_space<vmem>>, vector<1x128x128xf32>
    %swap3A_221 = vector.shape_cast %swap3A_220 : vector<1x128x128xf32> to vector<128x128xf32>
    %swap3A_222 = vector.shape_cast %transpose3A_216 : vector<128x128xf32> to vector<1x128x128xf32>
    tpu.vector_store %arg2[%swap3A_217, %swap3A_218, %swap3A_219], %swap3A_222 {strides = array<i32>} : memref<25x128x128xf32, #tpu.memory_space<vmem>>, vector<1x128x128xf32>,
    return
  }
  func.func @transform_0(%arg0: i32) -> (i32, i32) {
    %c0_i32 = arith.constant 0 : i32
    %c0_i32_0 = arith.constant 0 : i32
    return %arg0, %c0_i32 : i32, i32
  }
  func.func @transform_1(%arg0: i32) -> (i32, i32, i32) {
    %c0_i32 = arith.constant 0 : i32
    %c0_i32_0 = arith.constant 0 : i32
    %c0_i32_1 = arith.constant 0 : i32
    return %c0_i32, %c0_i32_0, %arg0 : i32, i32, i32
  }
}

</mosaic_0001>

<sc_bundles>
// kernel: kernel.5.cloned.1.call-start
scs
__scs_entry_jumppad:
0x0: {  	(pc) =	sbr.rel $0x88, $3  }
0x1: {  	(tag) =	ssettag $0x0;
	lr =	simm.s32 $0x1  }
0x2: {  	[smem:$0x3F9F] =	sst lr;
	_ =	strace $0xD0000000  }
0x3: {  	_ = 	snop  }
0x4: {  	_ = 	snop  }
0x5: {  	_ = 	snop  }
0x6: {  	_ = 	snop  }
0x7: {  	_ = 	snop  }
__scs_overlays_trampoline_lowered:
0x8: {  	[smem:$0x3FAE] =	sst s0  }
0x9: {  	[smem:$0x3FAF] =	sst s1  }
0xa: {  	[smem:$0x3FB0] =	sst s2  }
0xb: {  	[smem:$0x3FB1] =	sst s3  }
0xc: {  	[smem:$0x3FB2] =	sst s4  }
0xd: {  	[smem:$0x3FB3] =	sst s5  }
0xe: {  	[smem:$0x3FB4] =	sst s6  }
0xf: {  	[smem:$0x3FB5] =	sst s7  }
0x10: {  	[smem:$0x3FB6] =	sst s8  }
0x11: {  	[smem:$0x3FB7] =	sst s9;
	s0 =	simm.s32 @!p0 $0x0  }
0x12: {  	s1 =	sld [smem:$0x3F9D];
	s0 =	simm.s32 @p0 $0x1  }
0x13: {  	[smem:$0x3FB8] =	sst s0;
	s0 =	simm.s32 @!p1 $0x0  }
0x14: {  	s2 =	sld [smem:$0x3F9C];
	s0 =	simm.s32 @p1 $0x1  }
0x15: {  	[smem:$0x3FB9] =	sst s0;
	s0 =	simm.s32 @!p2 $0x0  }
0x16: {  	s3 =	sld [smem:$0x3FDB];
	s0 =	simm.s32 @p2 $0x1  }
0x17: {  	s4 =	simm.s32 $0x1BF5;
	[smem:$0x3FBB] =	sst s0  }
0x18: {  	s0 =	sld [smem:$0x3F9E];
	_ =	swait.ge [sflag:s4], $0x0  }
0x19: {  	s7 =	sld [smem:$0x3F9F]  }
0x1a: {  	s8 =	sadd.s32 $0xFFFFE003, lr  }
0x1b: {  	s9 =	sadd.s32 $0xFFFFFEF7, lr;
	s5 =	simm.s32 $0xFFFFFFFF;
	p2 =	slt.u32 s8, $0xFFFFF086  }
0x1c: {  	p1 =	slt.u32 s9, $0xF7A;
	s5 =	simm.s32 @!p2 $0x0  }
0x1d: {  	s5 =	simm.s32 @p1 $0x1;
	p0 =	seq.s32 s7, s2  }
0x1e: {  	s7 =	smul.u32 @!p0 $0xF7A, s2;
	p2 =	seq.s32 @!p0 s5, $0x0  }
0x1f: {  	s9 =	smul.u32 $0xF7A, s1;
	s8 =	simm.s32 @!p0 $0x1BF5;
	p2 =	por !p2, p0  }
0x20: {  	[sflag:s8] =	ssyncset.s32 @!p0 $0xFFFFF086;
	s6 =	sadd.s32 @!p0 s3, s7;
	s7 =	simm.s32 @!p0 $0x108  }
0x21: {  	s3 =	sadd.s32 s3, s9;
	s6 =	sadd.s32 @!p0 $0x88, s6;
	s7 =	simm.s32 @p2 $0x1082  }
0x22: {  	[simem:s7], [sflag:s8] =	dma.local @!p0 [hbm:s6], $0xF7A  }
0x23: {  	s9 =	sor.u32 $0xD0000000, s2;
	s6 =	simm.s32 $0x108;
	_ =	swait.ge @!p0 [sflag:s8], $0x0  }
0x24: {  	s3 =	sadd.s32 $0x88, s3;
	s6 =	simm.s32 @!p1 $0x1082;
	[sflag:s4] =	ssyncset.s32 $0xFFFFF086  }
0x25: {  	[simem:s6], [sflag:s4] =	dma.local [hbm:s3], $0xF7A  }
0x26: {  	[smem:$0x3F9F] =	sst s1;
	(tag) =	ssettag s2;
	_ =	strace s9  }
0x27: {  	s1 =	sld [smem:$0x3FAF]  }
0x28: {  	s2 =	sld [smem:$0x3FB0]  }
0x29: {  	s4 =	sld [smem:$0x3FB2]  }
0x2a: {  	p0 =	seq.s32 s5, $0x0;
	s5 =	sld [smem:$0x3FB3]  }
0x2b: {  	s6 =	sld [smem:$0x3FB4]  }
0x2c: {  	s7 =	sld [smem:$0x3FB5]  }
0x2d: {  	s3 =	simm.s32 $0x108;
	s8 =	sld [smem:$0x3FB6]  }
0x2e: {  	s3 =	simm.s32 @!p0 $0x1082;
	s9 =	sld [smem:$0x3FB7]  }
0x2f: {  	lr =	sadd.s32 s0, s3;
	s0 =	sld [smem:$0x3FAE]  }
0x30: {  	s3 =	sld [smem:$0x3FB1]  }
0x31: {  	[smem:$0x3FBA] =	sst s10  }
0x32: {  	s10 =	sld [smem:$0x3FB8];
	_ =	sdelay $0x3  }
0x33: {  	p0 =	seq.s32 s10, $0x1;
	s10 =	sld [smem:$0x3FBA];
	_ =	sdelay $0x3  }
0x34: {  	[smem:$0x3FBA] =	sst s10  }
0x35: {  	s10 =	sld [smem:$0x3FB9];
	_ =	sdelay $0x3  }
0x36: {  	p1 =	seq.s32 s10, $0x1;
	s10 =	sld [smem:$0x3FBA];
	_ =	sdelay $0x3  }
0x37: {  	[smem:$0x3FBA] =	sst s10  }
0x38: {  	s10 =	sld [smem:$0x3FBB]  }
0x39: {  	_ = 	snop;
	(pc) =	sbr.ind lr, $3  }
0x3a: {  	_ = 	snop  }
0x3b: {  	_ = 	snop  }
0x3c: {  	p2 =	seq.s32 s10, $0x1;
	s10 =	sld [smem:$0x3FBA]  }
0x3d: {  	_ =	shalt  }
0x3e: {  	_ =	shalt  }
0x3f: {  	_ =	shalt  }
0x40: {  	_ =	shalt  }
0x41: {  	_ =	shalt  }
0x42: {  	_ =	shalt  }
0x43: {  	_ =	shalt  }
0x44: {  	_ =	shalt  }
0x45: {  	_ =	shalt  }
0x46: {  	_ =	shalt  }
0x47: {  	_ =	shalt  }
0x48: {  	_ =	shalt  }
0x49: {  	_ =	shalt  }
0x4a: {  	_ =	shalt  }
0x4b: {  	_ =	shalt  }
0x4c: {  	_ =	shalt  }
0x4d: {  	_ =	shalt  }
0x4e: {  	_ =	shalt  }
0x4f: {  	_ =	shalt  }
0x50: {  	_ =	shalt  }
0x51: {  	_ =	shalt  }
0x52: {  	_ =	shalt  }
0x53: {  	_ =	shalt  }
0x54: {  	_ =	shalt  }
0x55: {  	_ =	shalt  }
0x56: {  	_ =	shalt  }
0x57: {  	_ =	shalt  }
0x58: {  	_ =	shalt  }
0x59: {  	_ =	shalt  }
0x5a: {  	_ =	shalt  }
0x5b: {  	_ =	shalt  }
0x5c: {  	_ =	shalt  }
0x5d: {  	_ =	shalt  }
0x5e: {  	_ =	shalt  }
0x5f: {  	_ =	shalt  }
0x60: {  	_ =	shalt  }
0x61: {  	_ =	shalt  }
0x62: {  	_ =	shalt  }
0x63: {  	_ =	shalt  }
0x64: {  	_ =	shalt  }
0x65: {  	_ =	shalt  }
0x66: {  	_ =	shalt  }
0x67: {  	_ =	shalt  }
0x68: {  	_ =	shalt  }
0x69: {  	_ =	shalt  }
0x6a: {  	_ =	shalt  }
0x6b: {  	_ =	shalt  }
0x6c: {  	_ =	shalt  }
0x6d: {  	_ =	shalt  }
0x6e: {  	_ =	shalt  }
0x6f: {  	_ =	shalt  }
0x70: {  	_ =	shalt  }
0x71: {  	_ =	shalt  }
0x72: {  	_ =	shalt  }
0x73: {  	_ =	shalt  }
0x74: {  	_ =	shalt  }
0x75: {  	_ =	shalt  }
0x76: {  	_ =	shalt  }
0x77: {  	_ =	shalt  }
0x78: {  	_ =	shalt  }
0x79: {  	_ =	shalt  }
0x7a: {  	_ =	shalt  }
0x7b: {  	_ =	shalt  }
0x7c: {  	_ =	shalt  }
0x7d: {  	_ =	shalt  }
0x7e: {  	_ =	shalt  }
0x7f: {  	_ =	shalt  }
0x80: {  	_ =	shalt  }
0x81: {  	_ =	shalt  }
0x82: {  	_ =	shalt  }
0x83: {  	_ =	shalt  }
0x84: {  	_ =	shalt  }
0x85: {  	_ =	shalt  }
0x86: {  	_ =	shalt  }
0x87: {  	_ =	shalt  }
.Lfunc_end0:
.L_simem_size_0:
called_computation_lowered:
.L_overlay_start_0:
0x88: {  	s2 =	sld [smem:$0x3FD9]  }
0x89: {  	s3 =	sld [smem:$0x3FFE];
	_ =	sdelay $0x1  }
0x8a: {  	s1 =	srdreg.scid  }
0x8b: {  	s0 =	sand.u32 $0x1, s1  }
0x8c: {  	s17 =	sshll.u32 s0, $0xA;
	s2 =	sadd.s32 s3, s2  }
0x8d: {  	s2 =	sadd.s32 s2, s17  }
0x8e: {  	[smem:$0x3FC6] =	sst s2  }
0x8f: {  	_ = 	snop  }
0x90: {  	s2 =	sld [smem:$0x3FD0];
	(tm) =	ssettm $0x1  }
0x91: {  	s18 =	sld [smem:$0x3FFB];
	_ =	sdelay $0x3  }
0x92: {  	_ =	strace s18  }
0x93: {  	s3 =	sld [smem:$0x3FFC];
	_ =	sdelay $0x3  }
0x94: {  	_ =	strace s3  }
0x95: {  	s3 =	sld [smem:$0x3FFD];
	_ =	sdelay $0x3  }
0x96: {  	_ =	strace s3  }
0x97: {  	_ =	strace $0x8FFFFFFF  }
0x98: {  	s19 =	sld [smem:$0x3FDB];
	_ =	sdelay $0x1  }
0x99: {  	s4 =	simm.s32 $_scs_section_size  }
0x9a: {  	s5 =	simm.s32 $_size__tile_overlayer_lowered;
	s6 =	simm.s32 $_tile_overlayer_lowered  }
0x9b: {  	s22 =	simm.s32 $0x1BFF;
	s21 =	sshll.u32 s6, $0x1;
	s3 =	sadd.s32 s4, s19  }
0x9c: {  	s7 =	simm.s32 $0x0;
	s20 =	sshll.u32 s5, $0x1;
	s5 =	sadd.s32 s21, s3  }
0x9d: {  	[timem:s7], [sflag:s22] =	dma.local [hbm:s5], s20  }
0x9e: {  	_ =	swait.ge [sflag:s22], s20  }
0x9f: {  	s4 =	ssub.s32 $0x0, s20;
	[sflag:s22] =	ssyncset.done $0x0  }
0xa0: {  	[sflag:s22] =	ssyncadd.s32 s4;
	_ =	sdelay $0x1  }
0xa1: {  	s23 =	simm.s32 $0x1B8B  }
0xa2: {  	_ =	swait.ge [sflag:s23], $0x1  }
0xa3: {  	[sflag:s23] =	ssyncset.done $0x0  }
0xa4: {  	s25 =	simm.s32 $0x1B8E;
	s24 =	sld [smem:$0x3FFE];
	[sflag:s23] =	ssyncadd.s32 $0xFFFFFFFF  }
0xa5: {  	s26 =	simm.s32 $execute0_lowered;
	[smem:$0x3FD2] =	sst s25  }
0xa6: {  	s5 =	sshll.u32 s26, $0x1;
	_ =	strace $0x80000046;
	[dreg:$0x1] =	wrdreg $0xFFFFFFFF  }
0xa7: {  	s28 =	simm.s32 $_size_execute0_lowered;
	s3 =	sadd.s32 s3, s5;
	[dreg:$0x0] =	wrdreg $0x0  }
0xa8: {  	s5 =	sshll.u32 s28, $0x1;
	[dreg:$0x2] =	wrdreg s3  }
0xa9: {  	[dreg:$0x3] =	wrdreg s5  }
0xaa: {  	[dreg:$0x4] =	wrdreg $0xC0  }
0xab: {  	_ =	task [dreg:s7], $0x5FFFF  }
0xac: {  	[dreg:$0x1] =	wrdreg $0xFFFFFFFF  }
0xad: {  	[dreg:$0x0] =	wrdreg $0x60  }
0xae: {  	[dreg:$0x2] =	wrdreg s2  }
0xaf: {  	[dreg:$0x3] =	wrdreg s24  }
0xb0: {  	[dreg:$0x4] =	wrdreg $0x9  }
0xb1: {  	_ =	task.clear_ibuf [dreg:s7], $0x5FFFF;
	_ =	strace $0x90000046  }
0xb2: {  	s29 =	simm.s32 $0x9;
	_ =	strace $0x80000048  }
0xb3: {  	_ =	swait.ge [sflag:s29], $0x1  }
0xb4: {  	[sflag:s29] =	ssyncadd.s32 $0xFFFFFFFF  }
0xb5: {  	_ =	strace $0x90000048  }
0xb6: {  	_ =	sfence  }
0xb7: {  	s30 =	sld [smem:$0x0];
	_ =	sdelay $0x2  }
0xb8: {  	s31 =	sshll.u32 s1, $0xD;
	s1 =	sshrl.u32 s1, $0x2  }
0xb9: {  	s3 =	sand.u32 $0x4000, s31;
	s1 =	sadd.s32 s1, s30  }
0xba: {  	s0 =	sor.u32 s3, s0;
	s1 =	sshll.u32 s1, $0x11  }
0xbb: {  	s0 =	sor.u32 s1, s0  }
0xbc: {  	s0 =	sadd.s32 $0x8F2B, s0  }
0xbd: {  	[sflag:s0] =	ssyncadd.remote.s32 $0x1  }
0xbe: {  	_ =	sfence.sel $0xFFFF  }
0xbf: {  	[dreg:$0x0] =	wrdreg $0xFFFFFFFF;
	(pc) =	sbr.abs _section_cstart, $3  }
0xc0: {  	[dreg:$0x1] =	wrdreg $0xFFFFFFFF  }
0xc1: {  	_ =	task.clear_ibuf [dreg:s7], $0x2FFFF;
	_ =	strace $0x9FFFFFFF  }
0xc2: {  	(tm) =	ssettm $0x7FFFFFFF  }
0xc3: {  	_ =	shalt  }
tec
execute0_lowered:
.L_overlay_start_1:
0x0: {  	(tag) =	ssettag $0x1  }
0x1: {  	s6 =	rddreg [dreg:$0x0]  }
0x2: {  	s1 =	srdreg.scid;
	s0 =	stileid.u32  }
0x3: {  	s5 =	rddreg [dreg:$0x1];
	s2 =	simm.s32 $0x0;
	s10 =	simm.s32 $0x5  }
0x4: {  	s11 =	simm.s32 $0x80;
	s12 =	simm.s32 $0x6400;
	s13 =	simm.s32 $0xA400  }
0x5: {  	s14 =	simm.s32 $0xE400;
	s15 =	simm.s32 $0x12400;
	s16 =	simm.s32 $0x1  }
0x6: {  	s17 =	simm.s32 $0x3;
	s18 =	simm.s32 $0x2;
	s19 =	simm.s32 $0x4  }
0x7: {  	s3 =	sand.u32 $0x1, s1;
	s4 =	sshll.u32 s0, $0x1;
	s1 =	rddreg [dreg:$0x2]  }
0x8: {  	s20 =	simm.s32 $0x0;
	[smem:$0x7FF] =	sst s2;
	s7 =	sor.u32 s3, s4  }
0x9: {  	s8 =	ssub.s32 $0x2, s3;
	_ =	strace $0x80000047;
	s3 =	smul.u32 $0x6400, s7  }
0xa: {  	s4 =	sadd.s32 $0x400, s5;
	s5 =	sadd.s32 $0xF42800, s5;
	s9 =	sshrl.u32 s8, $0x1  }
0xb: {  	s7 =	smul.u32 $0x190000, s7;
	s9 =	ssub.s32 s8, s9;
	s31 =	sshrl.u32 s3, $0x3  }
0xc: {  	s8 =	sor.u32 $0x80, s3;
	s9 =	smax.u32 s9, $0x1;
	s6 =	sadd.s32 s6, s31  }
.LBB2_1:
0xd: {  	[tilespmem:s2], [sflag:$0x5] =	stream.linear.gather [hbm4b:s6+s2], $0x6400, $0x38;
	[tilespmem:$0x16400] =	vst v63  }
0xe: {  	_ =	swait.ge [sflag:s10], $0x6400  }
0xf: {  	[sflag:s10] =	ssyncset.done $0x0  }
0x10: {  	[sflag:s10] =	ssyncadd.s32 $0xFFFF9C00  }
0x11: {  	[tilespmem:s12], [sflag:$0x1] =	stream.indirect.gather [hbm4b:s4+s11], $0x80, s2, s11, $0xb8;
	[tilespmem:$0x16400] =	vst v63  }
0x12: {  	s22 =	simm.s32 $0x0  }
0x13: {  	[tilespmem:s13], [sflag:$0x1] =	stream.indirect.gather [hbm4b:s4+s11], $0x80, s11, s11, $0xb8;
	[tilespmem:$0x16400] =	vst v63  }
.LBB2_3:
0x14: {  	p0 =	seq.s32 s22, $0x0  }
0x15: {  	s21 =	simm.s32 @!p0 $0x4  }
0x16: {  	_ =	swait.ge @!p0 [sflag:s21], $0x2000  }
0x17: {  	[sflag:s21] =	ssyncset.done @!p0 $0x0  }
0x18: {  	[sflag:s21] =	ssyncadd.s32 @!p0 $0xFFFFE000  }
0x19: {  	_ =	swait.ge @!p0 [sflag:s21], $0x2000  }
0x1a: {  	s24 =	sshll.u32 s22, $0x9;
	[sflag:s21] =	ssyncset.done @!p0 $0x0  }
0x1b: {  	s23 =	sor.u32 $0x100, s24;
	[sflag:s21] =	ssyncadd.s32 @!p0 $0xFFFFE000  }
0x1c: {  	[tilespmem:s14], [sflag:$0x2] =	stream.indirect.gather [hbm4b:s4+s11], $0x80, s23, s11, $0xb8;
	[tilespmem:$0x16400] =	vst v63  }
0x1d: {  	s21 =	sor.u32 $0x180, s24  }
0x1e: {  	[tilespmem:s15], [sflag:$0x2] =	stream.indirect.gather [hbm4b:s4+s11], $0x80, s21, s11, $0xb8;
	[tilespmem:$0x16400] =	vst v63  }
0x1f: {  	_ =	swait.ge [sflag:s16], $0x4000  }
0x20: {  	s25 =	sshll.u32 s22, $0xF;
	[sflag:s16] =	ssyncset.done $0x0  }
0x21: {  	s25 =	sadd.s32 s7, s25;
	[sflag:s16] =	ssyncadd.s32 $0xFFFFC000  }
0x22: {  	s26 =	simm.s32 $0x6400;
	s25 =	sshrl.u32 s25, $0x3;
	_ =	swait.ge [sflag:s16], $0x4000  }
0x23: {  	s28 =	simm.s32 $0x8;
	s25 =	sadd.s32 s5, s25;
	[sflag:s16] =	ssyncset.done $0x0  }
0x24: {  	s29 =	simm.s32 $0x6480;
	s30 =	sadd.s32 $0x0, s25;
	[sflag:s16] =	ssyncadd.s32 $0xFFFFC000  }
.LBB2_4:
0x25: {  	[hbm4b:s30+s2] =	stream.linear.scatter [tilespmem:s26], [sflag:$0x3], $0x40, $0x38;
	[tilespmem:$0x16400] =	vst v63  }
0x26: {  	s30 =	smov.u32 s28;
	s26 =	smov.u32 s29;
	p0 =	sne.s32 s28, $0x3F8  }
.Ltmp0:
0x27: {  	s28 =	sadd.s32 $0x8, s28;
	(pc) =	sbr.rel @p0 .LBB2_4-.Ltmp0, $2  }
0x28: {  	_ =	sdelay $0x2  }
0x29: {  	s29 =	sadd.s32 $0x80, s29;
	s30 =	sadd.s32 s30, s25  }
0x2a: {  	[hbm4b:s30+s2] =	stream.linear.scatter [tilespmem:s26], [sflag:$0x3], $0x40, $0x38;
	[tilespmem:$0x16400] =	vst v63  }
0x2b: {  	s24 =	sadd.s32 s24, s8  }
0x2c: {  	s24 =	sshll.u32 s24, $0x3  }
0x2d: {  	s24 =	sand.u32 $0x1FFFF400, s24  }
0x2e: {  	s25 =	simm.s32 $0xA400;
	s24 =	sadd.s32 s5, s24  }
0x2f: {  	s26 =	simm.s32 $0x8;
	s28 =	simm.s32 $0xA480;
	s29 =	sadd.s32 $0x0, s24  }
.LBB2_6:
0x30: {  	[hbm4b:s29+s2] =	stream.linear.scatter [tilespmem:s25], [sflag:$0x3], $0x40, $0x38;
	[tilespmem:$0x16400] =	vst v63  }
0x31: {  	s29 =	smov.u32 s26;
	s25 =	smov.u32 s28;
	p0 =	sne.s32 s26, $0x3F8  }
.Ltmp1:
0x32: {  	s26 =	sadd.s32 $0x8, s26;
	(pc) =	sbr.rel @p0 .LBB2_6-.Ltmp1, $2  }
0x33: {  	_ =	sdelay $0x2  }
0x34: {  	s28 =	sadd.s32 $0x80, s28;
	s29 =	sadd.s32 s29, s24  }
0x35: {  	[hbm4b:s29+s2] =	stream.linear.scatter [tilespmem:s25], [sflag:$0x3], $0x40, $0x38;
	[tilespmem:$0x16400] =	vst v63  }
0x36: {  	_ =	swait.ge [sflag:s17], $0x2000  }
0x37: {  	[sflag:s17] =	ssyncset.done $0x0  }
0x38: {  	p0 =	seq.s32 s22, $0x31;
	[sflag:s17] =	ssyncadd.s32 $0xFFFFE000  }
0x39: {  	s24 =	sshll.u32 @!p0 s22, $0x9;
	_ =	swait.ge [sflag:s17], $0x2000  }
0x3a: {  	s26 =	simm.s32 @!p0 $0x80;
	s24 =	sand.u32 @!p0 $0x3FFFFE00, s24;
	[sflag:s17] =	ssyncset.done $0x0  }
0x3b: {  	s28 =	simm.s32 @!p0 $0x6400;
	s25 =	sadd.s32 @!p0 $0x200, s24;
	[sflag:s17] =	ssyncadd.s32 $0xFFFFE000  }
0x3c: {  	[tilespmem:s28], [sflag:$0x1] =	stream.indirect.gather @!p0 [hbm4b:s4+s26], $0x80, s25, s26, $0xb8;
	[tilespmem:$0x16400] =	vst v63  }
0x3d: {  	s24 =	sadd.s32 @!p0 $0x280, s24;
	s25 =	simm.s32 @!p0 $0xA400  }
0x3e: {  	[tilespmem:s25], [sflag:$0x1] =	stream.indirect.gather @!p0 [hbm4b:s4+s26], $0x80, s24, s26, $0xb8;
	[tilespmem:$0x16400] =	vst v63  }
0x3f: {  	s23 =	sadd.s32 s3, s23;
	_ =	swait.ge [sflag:s18], $0x4000  }
0x40: {  	s23 =	sshll.u32 s23, $0x3;
	[sflag:s18] =	ssyncset.done $0x0  }
0x41: {  	s23 =	sand.u32 $0x1FFFF800, s23;
	[sflag:s18] =	ssyncadd.s32 $0xFFFFC000  }
0x42: {  	s22 =	sadd.s32 $0x1, s22;
	s23 =	sadd.s32 s5, s23;
	_ =	swait.ge [sflag:s18], $0x4000  }
0x43: {  	s28 =	sadd.s32 $0x0, s23;
	s24 =	simm.s32 $0xE400;
	[sflag:s18] =	ssyncset.done $0x0  }
0x44: {  	s25 =	simm.s32 $0x8;
	s26 =	simm.s32 $0xE480;
	[sflag:s18] =	ssyncadd.s32 $0xFFFFC000  }
.LBB2_8:
0x45: {  	[hbm4b:s28+s2] =	stream.linear.scatter [tilespmem:s24], [sflag:$0x4], $0x40, $0x38;
	[tilespmem:$0x16400] =	vst v63  }
0x46: {  	s28 =	smov.u32 s25;
	s24 =	smov.u32 s26;
	p0 =	sne.s32 s25, $0x3F8  }
.Ltmp2:
0x47: {  	s25 =	sadd.s32 $0x8, s25;
	(pc) =	sbr.rel @p0 .LBB2_8-.Ltmp2, $2  }
0x48: {  	_ =	sdelay $0x2  }
0x49: {  	s26 =	sadd.s32 $0x80, s26;
	s28 =	sadd.s32 s28, s23  }
0x4a: {  	[hbm4b:s28+s2] =	stream.linear.scatter [tilespmem:s24], [sflag:$0x4], $0x40, $0x38;
	[tilespmem:$0x16400] =	vst v63  }
0x4b: {  	s21 =	sadd.s32 s3, s21  }
0x4c: {  	s21 =	sshll.u32 s21, $0x3  }
0x4d: {  	s21 =	sand.u32 $0x1FFFFC00, s21  }
0x4e: {  	s23 =	simm.s32 $0x12400;
	s21 =	sadd.s32 s5, s21  }
0x4f: {  	s24 =	simm.s32 $0x8;
	s25 =	simm.s32 $0x12480;
	s26 =	sadd.s32 $0x0, s21  }
.LBB2_10:
0x50: {  	[hbm4b:s26+s2] =	stream.linear.scatter [tilespmem:s23], [sflag:$0x4], $0x40, $0x38;
	[tilespmem:$0x16400] =	vst v63  }
0x51: {  	s26 =	smov.u32 s24;
	s23 =	smov.u32 s25;
	p0 =	seq.s32 s24, $0x3F8  }
.Ltmp3:
0x52: {  	s24 =	sadd.s32 $0x8, s24;
	(pc) =	sbr.rel @!p0 .LBB2_10-.Ltmp3, $2  }
0x53: {  	_ =	sdelay $0x2  }
0x54: {  	s25 =	sadd.s32 $0x80, s25;
	s26 =	sadd.s32 s26, s21  }
0x55: {  	[hbm4b:s26+s2] =	stream.linear.scatter [tilespmem:s23], [sflag:$0x4], $0x40, $0x38;
	[tilespmem:$0x16400] =	vst v63  }
0x56: {  	p0 =	seq.s32 s22, $0x32  }
.Ltmp4:
0x57: {  	_ = 	snop;
	(pc) =	sbr.rel @!p0 .LBB2_3-.Ltmp4, $1  }
0x58: {  	_ =	sdelay $0x3  }
0x59: {  	s20 =	sadd.s32 $0x1, s20  }
0x5a: {  	_ =	swait.ge [sflag:s19], $0x2000;
	p0 =	sne.s32 s20, s9  }
.Ltmp5:
0x5b: {  	[sflag:s19] =	ssyncset.done $0x0;
	(pc) =	sbr.rel @p0 .LBB2_1-.Ltmp5, $4  }
0x5c: {  	[sflag:s19] =	ssyncadd.s32 $0xFFFFE000  }
0x5d: {  	_ =	swait.ge [sflag:s19], $0x2000  }
0x5e: {  	[sflag:s19] =	ssyncset.done $0x0  }
0x5f: {  	[sflag:s19] =	ssyncadd.s32 $0xFFFFE000  }
0x60: {  	_ =	sfence.sel $0x180000  }
0x61: {  	[bflag:$0x0] =	sbarrier.arrive $0xFFFF  }
0x62: {  	p0 =	sne.s32 s0, $0x0;
	_ =	strace $0x90000047  }
0x63: {  	s0 =	sadd.s32 @!p0 $0x100000, s1;
	[bflag:$0x2] =	sbarrier.arrive $0xFFFF  }
0x64: {  	[sflag:s0] =	ssyncadd.tile.s32 @!p0 $0x1;
	_ =	shalt  }
.Lfunc_end2:
_tile_overlayer_lowered:
.L_overlay_start_2:
0x65: {  	(tag) =	ssettag $0x2  }
0x66: {  	s0 =	rddreg [dreg:$0x0];
	s2 =	stileid.u32  }
0x67: {  	s1 =	rddreg [dreg:$0x1];
	p0 =	sne.s32 s2, $0x0  }
0x68: {  	s3 =	rddreg [dreg:$0x2];
	[bflag:$0x3] =	sbarrier.arrive $0xFFFF;
	s2 =	simm.s32 @!p0 $0x1C05  }
0x69: {  	[timem:s3], [sflag:s2] =	dma.local @!p0 [hbm:s0], s1  }
0x6a: {  	s0 =	simm.s32 @!p0 $0x5  }
0x6b: {  	_ =	swait.ge @!p0 [sflag:s0], s1  }
0x6c: {  	s1 =	ssub.s32 @!p0 $0x0, s1;
	[sflag:s0] =	ssyncset.done @!p0 $0x0  }
0x6d: {  	[sflag:s0] =	ssyncadd.s32 @!p0 s1  }
0x6e: {  	[bflag:$0x3] =	sbarrier.arrive $0xFFFF  }
0x6f: {  	_ =	shalt  }

</sc_bundles>
